<compile_context>
chip_gen: v7x
topology: tpu7x:2x2x1
jax: 0.10.2.dev20260603
libtpu: 0.0.44.dev20260713+nightly
codegen_flags: <defaults>
</compile_context>

<pallas_src>
import functools

import jax
import jax.numpy as jnp
from jax import lax
from jax.experimental import pallas as pl
from jax.experimental.pallas import tpu as pltpu
from jax.experimental.pallas import tpu_sc as plsc

N = 10000
D = 128
E = 320000
NC = 2
NS = 16
NW = NC * NS

C = 128
N_PAD = 10112
RPT_PAD = N_PAD // NS

E_PER_W = 10240
E_PAD = E_PER_W * NW
E_CHUNKS = E_PER_W // C

EP_PER_W = 20480
EP_PAD = EP_PER_W * NW
EP_CHUNKS = EP_PER_W // C

_MESH = plsc.VectorSubcoreMesh(core_axis_name="c", subcore_axis_name="s")


@functools.partial(
    pl.kernel,
    out_type=jax.ShapeDtypeStruct((NC, N_PAD, D), jnp.float32),
    mesh=_MESH,
    scratch_types=[
        pltpu.VMEM((EP_CHUNKS, C), jnp.int32),
        pltpu.VMEM((C, D), jnp.float32),
        pltpu.VMEM_SHARED((N_PAD, D), jnp.float32),
    ],
)
def _deg_kernel(ep_hbm, ones_hbm, zeros_hbm, out_hbm, idx_v, ones_v, acc_sh):
    c = lax.axis_index("c")
    s = lax.axis_index("s")
    w = s * NC + c
    pltpu.sync_copy(zeros_hbm.at[pl.ds(s * RPT_PAD, RPT_PAD)],
                    acc_sh.at[pl.ds(s * RPT_PAD, RPT_PAD)])
    pltpu.sync_copy(ones_hbm, ones_v)
    pltpu.sync_copy(ep_hbm.at[w], idx_v)
    plsc.subcore_barrier()

    def body(k, carry):
        pltpu.sync_copy(ones_v, acc_sh.at[idx_v.at[k]], add=True)
        return carry

    lax.fori_loop(0, EP_CHUNKS, body, 0)
    plsc.subcore_barrier()
    pltpu.sync_copy(acc_sh.at[pl.ds(s * RPT_PAD, RPT_PAD)],
                    out_hbm.at[c, pl.ds(s * RPT_PAD, RPT_PAD)])


@functools.partial(
    pl.kernel,
    out_type=jax.ShapeDtypeStruct((NC, N_PAD, D), jnp.float32),
    mesh=_MESH,
    scratch_types=[
        pltpu.VMEM((E_CHUNKS // 2, C), jnp.int32),
        pltpu.VMEM((E_CHUNKS, C), jnp.int32),
        pltpu.VMEM((C, D), jnp.float32),
        pltpu.VMEM((C, D), jnp.float32),
        pltpu.SemaphoreType.DMA,
        pltpu.SemaphoreType.DMA,
        pltpu.VMEM_SHARED((N_PAD, D), jnp.float32),
    ],
)
def _spmm_kernel(hs_hbm, src_hbm, dst_hbm, zeros_hbm, out_hbm,
                 src_m, dst_m, rows0, rows1, sem0, sem1, acc_sh):
    c = lax.axis_index("c")
    s = lax.axis_index("s")
    w = s * NC + c
    pltpu.sync_copy(zeros_hbm.at[pl.ds(s * RPT_PAD, RPT_PAD)],
                    acc_sh.at[pl.ds(s * RPT_PAD, RPT_PAD)])
    pltpu.sync_copy(dst_hbm.at[w], dst_m)
    plsc.subcore_barrier()

    HW = E_CHUNKS // 2
    for win in range(2):
        kb = win * HW
        pltpu.sync_copy(src_hbm.at[w, pl.ds(kb, HW)], src_m)
        pltpu.async_copy(hs_hbm.at[src_m.at[0]], rows0, sem0)
        pltpu.async_copy(hs_hbm.at[src_m.at[1]], rows1, sem1)

        def body(g, carry):
            k = g * 2
            pltpu.make_async_copy(hs_hbm.at[src_m.at[k]], rows0, sem0).wait()
            pltpu.sync_copy(rows0, acc_sh.at[dst_m.at[kb + k]], add=True)

            @pl.when(k + 2 < HW)
            def _():
                pltpu.async_copy(hs_hbm.at[src_m.at[k + 2]], rows0, sem0)

            pltpu.make_async_copy(hs_hbm.at[src_m.at[k + 1]], rows1, sem1).wait()
            pltpu.sync_copy(rows1, acc_sh.at[dst_m.at[kb + k + 1]], add=True)

            @pl.when(k + 3 < HW)
            def _():
                pltpu.async_copy(hs_hbm.at[src_m.at[k + 3]], rows1, sem1)

            return carry

        lax.fori_loop(0, HW // 2, body, 0)
    plsc.subcore_barrier()
    pltpu.sync_copy(acc_sh.at[pl.ds(s * RPT_PAD, RPT_PAD)],
                    out_hbm.at[c, pl.ds(s * RPT_PAD, RPT_PAD)])


def _prep_body(d_ref, emb_ref, dinv_ref, hs_ref):
    deg = d_ref[0, :, :1] + d_ref[1, :, :1] + 1.0
    dinv = lax.rsqrt(jnp.maximum(deg, 1.0))
    dinv_ref[...] = dinv
    hs_ref[...] = emb_ref[...] * dinv


_BP = 1000


def _prep(degp, emb):
    grid = (N // _BP,)
    return pl.pallas_call(
        _prep_body,
        grid=grid,
        in_specs=[
            pl.BlockSpec((NC, _BP, D), lambda i: (0, i, 0)),
            pl.BlockSpec((_BP, D), lambda i: (i, 0)),
        ],
        out_specs=[
            pl.BlockSpec((_BP, 1), lambda i: (i, 0)),
            pl.BlockSpec((_BP, D), lambda i: (i, 0)),
        ],
        out_shape=[
            jax.ShapeDtypeStruct((N, 1), jnp.float32),
            jax.ShapeDtypeStruct((N, D), jnp.float32),
        ],
    )(degp, emb)


def _layer_body(p_ref, selfrows_ref, dinv_ref, w_ref, out_ref, *, power):
    srows = p_ref[0] + p_ref[1] + selfrows_ref[...]
    x = lax.dot_general(srows, w_ref[...], (((1,), (1,)), ((), ())),
                        preferred_element_type=jnp.float32)
    dinv = dinv_ref[...]
    scale = dinv * dinv if power == 2 else dinv
    out_ref[...] = scale * jnp.maximum(x, 0.0)


def _layer(partials, selfrows, dinv, w, power):
    grid = (N // _BP,)
    return pl.pallas_call(
        functools.partial(_layer_body, power=power),
        grid=grid,
        in_specs=[
            pl.BlockSpec((NC, _BP, D), lambda i: (0, i, 0)),
            pl.BlockSpec((_BP, D), lambda i: (i, 0)),
            pl.BlockSpec((_BP, 1), lambda i: (i, 0)),
            pl.BlockSpec((D, D), lambda i: (0, 0)),
        ],
        out_specs=pl.BlockSpec((_BP, D), lambda i: (i, 0)),
        out_shape=jax.ShapeDtypeStruct((N, D), jnp.float32),
    )(partials, selfrows, dinv, w)


def kernel(emb, W0, W1, edge_index):
    e0 = edge_index[0].astype(jnp.int32)
    e1 = edge_index[1].astype(jnp.int32)
    pad_e = E_PAD - E
    src = jnp.concatenate([e1, jnp.zeros((pad_e,), jnp.int32)])
    src = src.reshape(NW, E_CHUNKS, C)
    dst = jnp.concatenate([e0, jnp.full((pad_e,), N, jnp.int32)])
    dst = dst.reshape(NW, E_CHUNKS, C)
    ep = jnp.concatenate([e0, e1, jnp.full((EP_PAD - 2 * E,), N, jnp.int32)])
    ep = ep.reshape(NW, EP_CHUNKS, C)
    zeros_tab = jnp.zeros((N_PAD, D), jnp.float32)
    ones_c = jnp.ones((C, D), jnp.float32)

    degp = _deg_kernel(ep, ones_c, zeros_tab)
    dinv, hs0 = _prep(degp, emb)
    p0 = _spmm_kernel(hs0, src, dst, zeros_tab)
    hs1 = _layer(p0, hs0, dinv, W0, 2)
    p1 = _spmm_kernel(hs1, src, dst, zeros_tab)
    return _layer(p1, hs1, dinv, W1, 1)

# --- scband reference (transcript-rebuilt; emitter-appended) ---
"""Pipeline reference for scband-simple-gcn-54949811585248 (READ-ONLY COPY).

The authoritative reference and input builder live on the scoring server;
editing this copy changes nothing except your own understanding.
"""

import jax, jax.numpy as jnp
import numpy as np

NUM_NODES = 10000
EMB_DIM = 128
NUM_EDGES = 320000
N_LAYERS = 2


def setup_inputs(seed: int = 0) -> dict:
    key = jax.random.key(seed)
    k1, k2, k3, k4 = jax.random.split(key, 4)
    edge_index = jax.random.randint(k1, (2, NUM_EDGES), 0, NUM_NODES, dtype=jnp.int32)
    emb = jax.random.normal(k2, (NUM_NODES, EMB_DIM), dtype=jnp.float32) * 0.02
    W0 = jax.random.normal(k3, (EMB_DIM, EMB_DIM), dtype=jnp.float32) * 0.05
    W1 = jax.random.normal(k4, (EMB_DIM, EMB_DIM), dtype=jnp.float32) * 0.05
    return {"emb": emb, "W0": W0, "W1": W1, "edge_index": edge_index}


def reference(emb, W0, W1, edge_index):
    n = NUM_NODES
    # build_norm_adj: A_hat = D^{-1/2} (A + I) D^{-1/2}
    loop = jnp.arange(n, dtype=edge_index.dtype)
    self_loops = jnp.stack([loop, loop], axis=0)
    ei = jnp.concatenate([edge_index, self_loops], axis=1)
    ones = jnp.ones(ei.shape[1], dtype=jnp.float32)
    deg_src = jnp.zeros(n, dtype=jnp.float32).at[ei[0]].add(ones)
    deg_dst = jnp.zeros(n, dtype=jnp.float32).at[ei[1]].add(ones)
    deg = deg_src + deg_dst - 1.0  # matches torch: - ones[:num_nodes]
    deg = jnp.maximum(deg, 1.0)
    dinv = deg ** -0.5
    norm = dinv[ei[0]] * dinv[ei[1]]
    # note: torch coalesce() sums duplicate (i,j) values; spmm also sums,
    # so segment_sum over uncoalesced entries is mathematically identical.
    H = emb
    for W in (W0, W1):
        msg = H[ei[1]] * norm[:, None]          # gather cols, scale by A values
        H = jax.ops.segment_sum(msg, ei[0], num_segments=n)  # scatter-add to rows
        H = H @ W.T                              # nn.Linear(bias=False): x @ W^T
        H = jax.nn.relu(H)
    return H

if __name__ == "__main__":
    import jax
    _d = setup_inputs()
    print(jax.jit(kernel)(*tuple(_d.values())))

</pallas_src>

<mosaic_0001>
#map = affine_map<(d0, d1) -> (0, 0)>
#map1 = affine_map<(d0, d1) -> (0, 0, 0)>
module attributes {stable_mosaic.version = 14 : i64} {
  func.func @_spmm_kernel(%arg0: i32, %arg1: i32, %arg2: memref<10000x128xf32, #tpu.memory_space<hbm>>, %arg3: memref<32x80x128xi32, #tpu.memory_space<hbm>>, %arg4: memref<32x80x128xi32, #tpu.memory_space<hbm>>, %arg5: memref<10112x128xf32, #tpu.memory_space<hbm>>, %arg6: memref<2x10112x128xf32, #tpu.memory_space<hbm>>, %arg7: memref<40x128xi32, #tpu.memory_space<vmem>>, %arg8: memref<80x128xi32, #tpu.memory_space<vmem>>, %arg9: memref<128x128xf32, #tpu.memory_space<vmem>>, %arg10: memref<128x128xf32, #tpu.memory_space<vmem>>, %arg11: memref<!tpu.dma_semaphore, #tpu.memory_space<semaphore_mem>>, %arg12: memref<!tpu.dma_semaphore, #tpu.memory_space<semaphore_mem>>, %arg13: memref<10112x128xf32, #tpu.memory_space<vmem_shared>>) attributes {dimension_semantics = [#tpu.dimension_semantics<core_parallel>, #tpu.dimension_semantics<subcore_parallel>], iteration_bounds = array<i64: 2, 16>, scalar_prefetch = 0 : i64, scratch_operands = 7 : i64, tpu.core_type = #tpu.core_type<sc_vector_subcore>, window_params = [{transform_indices = #map}, {transform_indices = #map1}, {transform_indices = #map1}, {transform_indices = #map}, {transform_indices = #map1}]} {
    %mul3A = arith.constant 2 : i32
    %mul3A_0 = arith.muli %arg1, %mul3A : i32
    %add3A = arith.addi %mul3A_0, %arg0 : i32
    %mul3A_1 = arith.constant 632 : i32
    %mul3A_2 = arith.muli %arg1, %mul3A_1 : i32
    %mul3A_3 = arith.constant 632 : i32
    %mul3A_4 = arith.muli %arg1, %mul3A_3 : i32
    "tpu.region"() ({
      %run_scoped3A = tpu.sem_alloc : memref<!tpu.dma_semaphore, #tpu.memory_space<semaphore_mem>>
      %dma_start3A_48 = arith.constant 0 : i32
      %dma_start3A_49 = tpu.memref_slice %arg13[%mul3A_4, %dma_start3A_48] : memref<10112x128xf32, #tpu.memory_space<vmem_shared>> -> memref<632x128xf32, #tpu.memory_space<vmem_shared>>
      %dma_start3A_50 = arith.constant 0 : i32
      %dma_start3A_51 = tpu.memref_slice %arg5[%mul3A_2, %dma_start3A_50] : memref<10112x128xf32, #tpu.memory_space<hbm>> -> memref<632x128xf32, #tpu.memory_space<hbm>>
      tpu.enqueue_dma source(%dma_start3A_51 : memref<632x128xf32, #tpu.memory_space<hbm>>) target(%dma_start3A_49 : memref<632x128xf32, #tpu.memory_space<vmem_shared>>) target_semaphore(%run_scoped3A : memref<!tpu.dma_semaphore, #tpu.memory_space<semaphore_mem>>)
      %dma_wait3A = arith.constant 0 : i32
      %dma_wait3A_52 = tpu.memref_slice %arg13[%mul3A_4, %dma_wait3A] : memref<10112x128xf32, #tpu.memory_space<vmem_shared>> -> memref<632x128xf32, #tpu.memory_space<vmem_shared>>
      %dma_wait3A_53 = arith.constant 0 : i32
      %dma_wait3A_54 = tpu.memref_slice %arg5[%mul3A_2, %dma_wait3A_53] : memref<10112x128xf32, #tpu.memory_space<hbm>> -> memref<632x128xf32, #tpu.memory_space<hbm>>
      tpu.wait_dma2 semaphore(%run_scoped3A : memref<!tpu.dma_semaphore, #tpu.memory_space<semaphore_mem>>) src(%dma_wait3A_54 : memref<632x128xf32, #tpu.memory_space<hbm>>) dst(%dma_wait3A_52 : memref<632x128xf32, #tpu.memory_space<vmem_shared>>)
      tpu.yield
    }) : () -> ()
    "tpu.region"() ({
      %run_scoped3A = tpu.sem_alloc : memref<!tpu.dma_semaphore, #tpu.memory_space<semaphore_mem>>
      %dma_start3A_48 = arith.constant 0 : i32
      %dma_start3A_49 = arith.constant 0 : i32
      %dma_start3A_50 = tpu.memref_slice %arg4[%add3A, %dma_start3A_48, %dma_start3A_49] : memref<32x80x128xi32, #tpu.memory_space<hbm>> -> memref<1x80x128xi32, #tpu.memory_space<hbm>>
      %dma_start3A_51 = tpu.memref_squeeze %dma_start3A_50 : memref<1x80x128xi32, #tpu.memory_space<hbm>> -> memref<80x128xi32, #tpu.memory_space<hbm>>
      %dma_start3A_52 = arith.constant 0 : i32
      %dma_start3A_53 = arith.constant 0 : i32
      %dma_start3A_54 = tpu.memref_slice %arg4[%add3A, %dma_start3A_52, %dma_start3A_53] : memref<32x80x128xi32, #tpu.memory_space<hbm>> -> memref<1x80x128xi32, #tpu.memory_space<hbm>>
      %dma_start3A_55 = tpu.memref_squeeze %dma_start3A_54 : memref<1x80x128xi32, #tpu.memory_space<hbm>> -> memref<80x128xi32, #tpu.memory_space<hbm>>
      tpu.enqueue_dma source(%dma_start3A_55 : memref<80x128xi32, #tpu.memory_space<hbm>>) target(%arg8 : memref<80x128xi32, #tpu.memory_space<vmem>>) target_semaphore(%run_scoped3A : memref<!tpu.dma_semaphore, #tpu.memory_space<semaphore_mem>>)
      %dma_wait3A = arith.constant 0 : i32
      %dma_wait3A_56 = arith.constant 0 : i32
      %dma_wait3A_57 = tpu.memref_slice %arg4[%add3A, %dma_wait3A, %dma_wait3A_56] : memref<32x80x128xi32, #tpu.memory_space<hbm>> -> memref<1x80x128xi32, #tpu.memory_space<hbm>>
      %dma_wait3A_58 = tpu.memref_squeeze %dma_wait3A_57 : memref<1x80x128xi32, #tpu.memory_space<hbm>> -> memref<80x128xi32, #tpu.memory_space<hbm>>
      %dma_wait3A_59 = arith.constant 0 : i32
      %dma_wait3A_60 = arith.constant 0 : i32
      %dma_wait3A_61 = tpu.memref_slice %arg4[%add3A, %dma_wait3A_59, %dma_wait3A_60] : memref<32x80x128xi32, #tpu.memory_space<hbm>> -> memref<1x80x128xi32, #tpu.memory_space<hbm>>
      %dma_wait3A_62 = tpu.memref_squeeze %dma_wait3A_61 : memref<1x80x128xi32, #tpu.memory_space<hbm>> -> memref<80x128xi32, #tpu.memory_space<hbm>>
      tpu.wait_dma2 semaphore(%run_scoped3A : memref<!tpu.dma_semaphore, #tpu.memory_space<semaphore_mem>>) src(%dma_wait3A_62 : memref<80x128xi32, #tpu.memory_space<hbm>>) dst(%arg8 : memref<80x128xi32, #tpu.memory_space<vmem>>)
      tpu.yield
    }) : () -> ()
    %barrier3A = arith.constant 0 : index
    tpu.barrier barrier_id(%barrier3A)
    "tpu.region"() ({
      %run_scoped3A = tpu.sem_alloc : memref<!tpu.dma_semaphore, #tpu.memory_space<semaphore_mem>>
      %dma_start3A_48 = arith.constant 0 : i32
      %dma_start3A_49 = arith.constant 0 : i32
      %dma_start3A_50 = tpu.memref_slice %arg3[%add3A, %dma_start3A_48, %dma_start3A_49] : memref<32x80x128xi32, #tpu.memory_space<hbm>> -> memref<1x40x128xi32, #tpu.memory_space<hbm>>
      %dma_start3A_51 = tpu.memref_squeeze %dma_start3A_50 : memref<1x40x128xi32, #tpu.memory_space<hbm>> -> memref<40x128xi32, #tpu.memory_space<hbm>>
      %dma_start3A_52 = arith.constant 0 : i32
      %dma_start3A_53 = arith.constant 0 : i32
      %dma_start3A_54 = tpu.memref_slice %arg3[%add3A, %dma_start3A_52, %dma_start3A_53] : memref<32x80x128xi32, #tpu.memory_space<hbm>> -> memref<1x40x128xi32, #tpu.memory_space<hbm>>
      %dma_start3A_55 = tpu.memref_squeeze %dma_start3A_54 : memref<1x40x128xi32, #tpu.memory_space<hbm>> -> memref<40x128xi32, #tpu.memory_space<hbm>>
      tpu.enqueue_dma source(%dma_start3A_55 : memref<40x128xi32, #tpu.memory_space<hbm>>) target(%arg7 : memref<40x128xi32, #tpu.memory_space<vmem>>) target_semaphore(%run_scoped3A : memref<!tpu.dma_semaphore, #tpu.memory_space<semaphore_mem>>)
      %dma_wait3A = arith.constant 0 : i32
      %dma_wait3A_56 = arith.constant 0 : i32
      %dma_wait3A_57 = tpu.memref_slice %arg3[%add3A, %dma_wait3A, %dma_wait3A_56] : memref<32x80x128xi32, #tpu.memory_space<hbm>> -> memref<1x40x128xi32, #tpu.memory_space<hbm>>
      %dma_wait3A_58 = tpu.memref_squeeze %dma_wait3A_57 : memref<1x40x128xi32, #tpu.memory_space<hbm>> -> memref<40x128xi32, #tpu.memory_space<hbm>>
      %dma_wait3A_59 = arith.constant 0 : i32
      %dma_wait3A_60 = arith.constant 0 : i32
      %dma_wait3A_61 = tpu.memref_slice %arg3[%add3A, %dma_wait3A_59, %dma_wait3A_60] : memref<32x80x128xi32, #tpu.memory_space<hbm>> -> memref<1x40x128xi32, #tpu.memory_space<hbm>>
      %dma_wait3A_62 = tpu.memref_squeeze %dma_wait3A_61 : memref<1x40x128xi32, #tpu.memory_space<hbm>> -> memref<40x128xi32, #tpu.memory_space<hbm>>
      tpu.wait_dma2 semaphore(%run_scoped3A : memref<!tpu.dma_semaphore, #tpu.memory_space<semaphore_mem>>) src(%dma_wait3A_62 : memref<40x128xi32, #tpu.memory_space<hbm>>) dst(%arg7 : memref<40x128xi32, #tpu.memory_space<vmem>>)
      tpu.yield
    }) : () -> ()
    %dma_start3A = arith.constant 0 : i32
    %dma_start3A_5 = arith.constant 0 : i32
    %dma_start3A_6 = tpu.memref_slice %arg7[%dma_start3A, %dma_start3A_5] : memref<40x128xi32, #tpu.memory_space<vmem>> -> memref<1x128xi32, #tpu.memory_space<vmem>>
    %dma_start3A_7 = tpu.memref_squeeze %dma_start3A_6 : memref<1x128xi32, #tpu.memory_space<vmem>> -> memref<128xi32, #tpu.memory_space<vmem>>
    %dma_start3A_8 = arith.constant 0 : i32
    %dma_start3A_9 = arith.constant 0 : i32
    %dma_start3A_10 = tpu.memref_slice %arg2[%dma_start3A_8, %dma_start3A_9] : memref<10000x128xf32, #tpu.memory_space<hbm>> -> memref<10000x128xf32, #tpu.memory_space<hbm>>
    tpu.enqueue_indirect_dma source(%dma_start3A_10 : memref<10000x128xf32, #tpu.memory_space<hbm>>) target(%arg9 : memref<128x128xf32, #tpu.memory_space<vmem>>) offsets(%dma_start3A_7 : memref<128xi32, #tpu.memory_space<vmem>>) semaphore(%arg11 : memref<!tpu.dma_semaphore, #tpu.memory_space<semaphore_mem>>)
    %dma_start3A_11 = arith.constant 1 : i32
    %dma_start3A_12 = arith.constant 0 : i32
    %dma_start3A_13 = tpu.memref_slice %arg7[%dma_start3A_11, %dma_start3A_12] : memref<40x128xi32, #tpu.memory_space<vmem>> -> memref<1x128xi32, #tpu.memory_space<vmem>>
    %dma_start3A_14 = tpu.memref_squeeze %dma_start3A_13 : memref<1x128xi32, #tpu.memory_space<vmem>> -> memref<128xi32, #tpu.memory_space<vmem>>
    %dma_start3A_15 = arith.constant 0 : i32
    %dma_start3A_16 = arith.constant 0 : i32
    %dma_start3A_17 = tpu.memref_slice %arg2[%dma_start3A_15, %dma_start3A_16] : memref<10000x128xf32, #tpu.memory_space<hbm>> -> memref<10000x128xf32, #tpu.memory_space<hbm>>
    tpu.enqueue_indirect_dma source(%dma_start3A_17 : memref<10000x128xf32, #tpu.memory_space<hbm>>) target(%arg10 : memref<128x128xf32, #tpu.memory_space<vmem>>) offsets(%dma_start3A_14 : memref<128xi32, #tpu.memory_space<vmem>>) semaphore(%arg12 : memref<!tpu.dma_semaphore, #tpu.memory_space<semaphore_mem>>)
    %scan3A = arith.constant 0 : i32
    %scan3A_18 = arith.constant 0 : i32
    %scan3A_19 = arith.constant 20 : i32
    %scan3A_20 = arith.addi %scan3A_18, %scan3A_19 : i32
    %scan3A_21 = arith.constant 1 : i32
    scf.for %scan3A_48 = %scan3A_18 to %scan3A_20 step %scan3A_21  : i32 {
      %mul3A_49 = arith.constant 2 : i32
      %mul3A_50 = arith.muli %scan3A_48, %mul3A_49 : i32
      %dma_wait3A = arith.constant 0 : i32
      %dma_wait3A_51 = tpu.memref_slice %arg7[%mul3A_50, %dma_wait3A] : memref<40x128xi32, #tpu.memory_space<vmem>> -> memref<1x128xi32, #tpu.memory_space<vmem>>
      %dma_wait3A_52 = tpu.memref_squeeze %dma_wait3A_51 : memref<1x128xi32, #tpu.memory_space<vmem>> -> memref<128xi32, #tpu.memory_space<vmem>>
      %dma_wait3A_53 = arith.constant 0 : i32
      %dma_wait3A_54 = arith.constant 0 : i32
      %dma_wait3A_55 = tpu.memref_slice %arg2[%dma_wait3A_53, %dma_wait3A_54] : memref<10000x128xf32, #tpu.memory_space<hbm>> -> memref<10000x128xf32, #tpu.memory_space<hbm>>
      tpu.wait_indirect_dma semaphore(%arg11 : memref<!tpu.dma_semaphore, #tpu.memory_space<semaphore_mem>>) src(%dma_wait3A_55 : memref<10000x128xf32, #tpu.memory_space<hbm>>) dst(%arg9 : memref<128x128xf32, #tpu.memory_space<vmem>>)
      %add3A_56 = arith.constant 0 : i32
      %add3A_57 = arith.addi %add3A_56, %mul3A_50 : i32
      "tpu.region"() ({
        %run_scoped3A = tpu.sem_alloc : memref<!tpu.dma_semaphore, #tpu.memory_space<semaphore_mem>>
        %dma_start3A_81 = arith.constant 0 : i32
        %dma_start3A_82 = tpu.memref_slice %arg8[%add3A_57, %dma_start3A_81] : memref<80x128xi32, #tpu.memory_space<vmem>> -> memref<1x128xi32, #tpu.memory_space<vmem>>
        %dma_start3A_83 = tpu.memref_squeeze %dma_start3A_82 : memref<1x128xi32, #tpu.memory_space<vmem>> -> memref<128xi32, #tpu.memory_space<vmem>>
        %dma_start3A_84 = arith.constant 0 : i32
        %dma_start3A_85 = arith.constant 0 : i32
        %dma_start3A_86 = tpu.memref_slice %arg13[%dma_start3A_84, %dma_start3A_85] : memref<10112x128xf32, #tpu.memory_space<vmem_shared>> -> memref<10112x128xf32, #tpu.memory_space<vmem_shared>>
        tpu.enqueue_indirect_dma source(%arg9 : memref<128x128xf32, #tpu.memory_space<vmem>>) target(%dma_start3A_86 : memref<10112x128xf32, #tpu.memory_space<vmem_shared>>) offsets(%dma_start3A_83 : memref<128xi32, #tpu.memory_space<vmem>>) semaphore(%run_scoped3A : memref<!tpu.dma_semaphore, #tpu.memory_space<semaphore_mem>>) {add = true}
        %dma_wait3A_87 = arith.constant 0 : i32
        %dma_wait3A_88 = tpu.memref_slice %arg8[%add3A_57, %dma_wait3A_87] : memref<80x128xi32, #tpu.memory_space<vmem>> -> memref<1x128xi32, #tpu.memory_space<vmem>>
        %dma_wait3A_89 = tpu.memref_squeeze %dma_wait3A_88 : memref<1x128xi32, #tpu.memory_space<vmem>> -> memref<128xi32, #tpu.memory_space<vmem>>
        %dma_wait3A_90 = arith.constant 0 : i32
        %dma_wait3A_91 = arith.constant 0 : i32
        %dma_wait3A_92 = tpu.memref_slice %arg13[%dma_wait3A_90, %dma_wait3A_91] : memref<10112x128xf32, #tpu.memory_space<vmem_shared>> -> memref<10112x128xf32, #tpu.memory_space<vmem_shared>>
        tpu.wait_indirect_dma semaphore(%run_scoped3A : memref<!tpu.dma_semaphore, #tpu.memory_space<semaphore_mem>>) src(%arg9 : memref<128x128xf32, #tpu.memory_space<vmem>>) dst(%dma_wait3A_92 : memref<10112x128xf32, #tpu.memory_space<vmem_shared>>)
        tpu.yield
      }) : () -> ()
      %add3A_58 = arith.constant 2 : i32
      %add3A_59 = arith.addi %mul3A_50, %add3A_58 : i32
      %lt3A = arith.constant 40 : i32
      %lt3A_60 = arith.cmpi slt, %add3A_59, %lt3A : i32
      %convert_element_type3A = arith.extui %lt3A_60 : i1 to i32
      %cond3A = arith.constant 0 : i32
      %cond3A_61 = arith.cmpi ne, %convert_element_type3A, %cond3A : i32
      scf.if %cond3A_61 {
        %add3A_81 = arith.constant 2 : i32
        %add3A_82 = arith.addi %mul3A_50, %add3A_81 : i32
        %dma_start3A_83 = arith.constant 0 : i32
        %dma_start3A_84 = tpu.memref_slice %arg7[%add3A_82, %dma_start3A_83] : memref<40x128xi32, #tpu.memory_space<vmem>> -> memref<1x128xi32, #tpu.memory_space<vmem>>
        %dma_start3A_85 = tpu.memref_squeeze %dma_start3A_84 : memref<1x128xi32, #tpu.memory_space<vmem>> -> memref<128xi32, #tpu.memory_space<vmem>>
        %dma_start3A_86 = arith.constant 0 : i32
        %dma_start3A_87 = arith.constant 0 : i32
        %dma_start3A_88 = tpu.memref_slice %arg2[%dma_start3A_86, %dma_start3A_87] : memref<10000x128xf32, #tpu.memory_space<hbm>> -> memref<10000x128xf32, #tpu.memory_space<hbm>>
        tpu.enqueue_indirect_dma source(%dma_start3A_88 : memref<10000x128xf32, #tpu.memory_space<hbm>>) target(%arg9 : memref<128x128xf32, #tpu.memory_space<vmem>>) offsets(%dma_start3A_85 : memref<128xi32, #tpu.memory_space<vmem>>) semaphore(%arg11 : memref<!tpu.dma_semaphore, #tpu.memory_space<semaphore_mem>>)
      } else {
      }
      %add3A_62 = arith.constant 1 : i32
      %add3A_63 = arith.addi %mul3A_50, %add3A_62 : i32
      %dma_wait3A_64 = arith.constant 0 : i32
      %dma_wait3A_65 = tpu.memref_slice %arg7[%add3A_63, %dma_wait3A_64] : memref<40x128xi32, #tpu.memory_space<vmem>> -> memref<1x128xi32, #tpu.memory_space<vmem>>
      %dma_wait3A_66 = tpu.memref_squeeze %dma_wait3A_65 : memref<1x128xi32, #tpu.memory_space<vmem>> -> memref<128xi32, #tpu.memory_space<vmem>>
      %dma_wait3A_67 = arith.constant 0 : i32
      %dma_wait3A_68 = arith.constant 0 : i32
      %dma_wait3A_69 = tpu.memref_slice %arg2[%dma_wait3A_67, %dma_wait3A_68] : memref<10000x128xf32, #tpu.memory_space<hbm>> -> memref<10000x128xf32, #tpu.memory_space<hbm>>
      tpu.wait_indirect_dma semaphore(%arg12 : memref<!tpu.dma_semaphore, #tpu.memory_space<semaphore_mem>>) src(%dma_wait3A_69 : memref<10000x128xf32, #tpu.memory_space<hbm>>) dst(%arg10 : memref<128x128xf32, #tpu.memory_space<vmem>>)
      %add3A_70 = arith.constant 0 : i32
      %add3A_71 = arith.addi %add3A_70, %mul3A_50 : i32
      %add3A_72 = arith.constant 1 : i32
      %add3A_73 = arith.addi %add3A_71, %add3A_72 : i32
      "tpu.region"() ({
        %run_scoped3A = tpu.sem_alloc : memref<!tpu.dma_semaphore, #tpu.memory_space<semaphore_mem>>
        %dma_start3A_81 = arith.constant 0 : i32
        %dma_start3A_82 = tpu.memref_slice %arg8[%add3A_73, %dma_start3A_81] : memref<80x128xi32, #tpu.memory_space<vmem>> -> memref<1x128xi32, #tpu.memory_space<vmem>>
        %dma_start3A_83 = tpu.memref_squeeze %dma_start3A_82 : memref<1x128xi32, #tpu.memory_space<vmem>> -> memref<128xi32, #tpu.memory_space<vmem>>
        %dma_start3A_84 = arith.constant 0 : i32
        %dma_start3A_85 = arith.constant 0 : i32
        %dma_start3A_86 = tpu.memref_slice %arg13[%dma_start3A_84, %dma_start3A_85] : memref<10112x128xf32, #tpu.memory_space<vmem_shared>> -> memref<10112x128xf32, #tpu.memory_space<vmem_shared>>
        tpu.enqueue_indirect_dma source(%arg10 : memref<128x128xf32, #tpu.memory_space<vmem>>) target(%dma_start3A_86 : memref<10112x128xf32, #tpu.memory_space<vmem_shared>>) offsets(%dma_start3A_83 : memref<128xi32, #tpu.memory_space<vmem>>) semaphore(%run_scoped3A : memref<!tpu.dma_semaphore, #tpu.memory_space<semaphore_mem>>) {add = true}
        %dma_wait3A_87 = arith.constant 0 : i32
        %dma_wait3A_88 = tpu.memref_slice %arg8[%add3A_73, %dma_wait3A_87] : memref<80x128xi32, #tpu.memory_space<vmem>> -> memref<1x128xi32, #tpu.memory_space<vmem>>
        %dma_wait3A_89 = tpu.memref_squeeze %dma_wait3A_88 : memref<1x128xi32, #tpu.memory_space<vmem>> -> memref<128xi32, #tpu.memory_space<vmem>>
        %dma_wait3A_90 = arith.constant 0 : i32
        %dma_wait3A_91 = arith.constant 0 : i32
        %dma_wait3A_92 = tpu.memref_slice %arg13[%dma_wait3A_90, %dma_wait3A_91] : memref<10112x128xf32, #tpu.memory_space<vmem_shared>> -> memref<10112x128xf32, #tpu.memory_space<vmem_shared>>
        tpu.wait_indirect_dma semaphore(%run_scoped3A : memref<!tpu.dma_semaphore, #tpu.memory_space<semaphore_mem>>) src(%arg10 : memref<128x128xf32, #tpu.memory_space<vmem>>) dst(%dma_wait3A_92 : memref<10112x128xf32, #tpu.memory_space<vmem_shared>>)
        tpu.yield
      }) : () -> ()
      %add3A_74 = arith.constant 3 : i32
      %add3A_75 = arith.addi %mul3A_50, %add3A_74 : i32
      %lt3A_76 = arith.constant 40 : i32
      %lt3A_77 = arith.cmpi slt, %add3A_75, %lt3A_76 : i32
      %convert_element_type3A_78 = arith.extui %lt3A_77 : i1 to i32
      %cond3A_79 = arith.constant 0 : i32
      %cond3A_80 = arith.cmpi ne, %convert_element_type3A_78, %cond3A_79 : i32
      scf.if %cond3A_80 {
        %add3A_81 = arith.constant 3 : i32
        %add3A_82 = arith.addi %mul3A_50, %add3A_81 : i32
        %dma_start3A_83 = arith.constant 0 : i32
        %dma_start3A_84 = tpu.memref_slice %arg7[%add3A_82, %dma_start3A_83] : memref<40x128xi32, #tpu.memory_space<vmem>> -> memref<1x128xi32, #tpu.memory_space<vmem>>
        %dma_start3A_85 = tpu.memref_squeeze %dma_start3A_84 : memref<1x128xi32, #tpu.memory_space<vmem>> -> memref<128xi32, #tpu.memory_space<vmem>>
        %dma_start3A_86 = arith.constant 0 : i32
        %dma_start3A_87 = arith.constant 0 : i32
        %dma_start3A_88 = tpu.memref_slice %arg2[%dma_start3A_86, %dma_start3A_87] : memref<10000x128xf32, #tpu.memory_space<hbm>> -> memref<10000x128xf32, #tpu.memory_space<hbm>>
        tpu.enqueue_indirect_dma source(%dma_start3A_88 : memref<10000x128xf32, #tpu.memory_space<hbm>>) target(%arg10 : memref<128x128xf32, #tpu.memory_space<vmem>>) offsets(%dma_start3A_85 : memref<128xi32, #tpu.memory_space<vmem>>) semaphore(%arg12 : memref<!tpu.dma_semaphore, #tpu.memory_space<semaphore_mem>>)
      } else {
      }
    }
    %scan3A_22 = arith.constant 20 : i32
    "tpu.region"() ({
      %run_scoped3A = tpu.sem_alloc : memref<!tpu.dma_semaphore, #tpu.memory_space<semaphore_mem>>
      %dma_start3A_48 = arith.constant 40 : i32
      %dma_start3A_49 = arith.constant 0 : i32
      %dma_start3A_50 = tpu.memref_slice %arg3[%add3A, %dma_start3A_48, %dma_start3A_49] : memref<32x80x128xi32, #tpu.memory_space<hbm>> -> memref<1x40x128xi32, #tpu.memory_space<hbm>>
      %dma_start3A_51 = tpu.memref_squeeze %dma_start3A_50 : memref<1x40x128xi32, #tpu.memory_space<hbm>> -> memref<40x128xi32, #tpu.memory_space<hbm>>
      %dma_start3A_52 = arith.constant 40 : i32
      %dma_start3A_53 = arith.constant 0 : i32
      %dma_start3A_54 = tpu.memref_slice %arg3[%add3A, %dma_start3A_52, %dma_start3A_53] : memref<32x80x128xi32, #tpu.memory_space<hbm>> -> memref<1x40x128xi32, #tpu.memory_space<hbm>>
      %dma_start3A_55 = tpu.memref_squeeze %dma_start3A_54 : memref<1x40x128xi32, #tpu.memory_space<hbm>> -> memref<40x128xi32, #tpu.memory_space<hbm>>
      tpu.enqueue_dma source(%dma_start3A_55 : memref<40x128xi32, #tpu.memory_space<hbm>>) target(%arg7 : memref<40x128xi32, #tpu.memory_space<vmem>>) target_semaphore(%run_scoped3A : memref<!tpu.dma_semaphore, #tpu.memory_space<semaphore_mem>>)
      %dma_wait3A = arith.constant 40 : i32
      %dma_wait3A_56 = arith.constant 0 : i32
      %dma_wait3A_57 = tpu.memref_slice %arg3[%add3A, %dma_wait3A, %dma_wait3A_56] : memref<32x80x128xi32, #tpu.memory_space<hbm>> -> memref<1x40x128xi32, #tpu.memory_space<hbm>>
      %dma_wait3A_58 = tpu.memref_squeeze %dma_wait3A_57 : memref<1x40x128xi32, #tpu.memory_space<hbm>> -> memref<40x128xi32, #tpu.memory_space<hbm>>
      %dma_wait3A_59 = arith.constant 40 : i32
      %dma_wait3A_60 = arith.constant 0 : i32
      %dma_wait3A_61 = tpu.memref_slice %arg3[%add3A, %dma_wait3A_59, %dma_wait3A_60] : memref<32x80x128xi32, #tpu.memory_space<hbm>> -> memref<1x40x128xi32, #tpu.memory_space<hbm>>
      %dma_wait3A_62 = tpu.memref_squeeze %dma_wait3A_61 : memref<1x40x128xi32, #tpu.memory_space<hbm>> -> memref<40x128xi32, #tpu.memory_space<hbm>>
      tpu.wait_dma2 semaphore(%run_scoped3A : memref<!tpu.dma_semaphore, #tpu.memory_space<semaphore_mem>>) src(%dma_wait3A_62 : memref<40x128xi32, #tpu.memory_space<hbm>>) dst(%arg7 : memref<40x128xi32, #tpu.memory_space<vmem>>)
      tpu.yield
    }) : () -> ()
    %dma_start3A_23 = arith.constant 0 : i32
    %dma_start3A_24 = arith.constant 0 : i32
    %dma_start3A_25 = tpu.memref_slice %arg7[%dma_start3A_23, %dma_start3A_24] : memref<40x128xi32, #tpu.memory_space<vmem>> -> memref<1x128xi32, #tpu.memory_space<vmem>>
    %dma_start3A_26 = tpu.memref_squeeze %dma_start3A_25 : memref<1x128xi32, #tpu.memory_space<vmem>> -> memref<128xi32, #tpu.memory_space<vmem>>
    %dma_start3A_27 = arith.constant 0 : i32
    %dma_start3A_28 = arith.constant 0 : i32
    %dma_start3A_29 = tpu.memref_slice %arg2[%dma_start3A_27, %dma_start3A_28] : memref<10000x128xf32, #tpu.memory_space<hbm>> -> memref<10000x128xf32, #tpu.memory_space<hbm>>
    tpu.enqueue_indirect_dma source(%dma_start3A_29 : memref<10000x128xf32, #tpu.memory_space<hbm>>) target(%arg9 : memref<128x128xf32, #tpu.memory_space<vmem>>) offsets(%dma_start3A_26 : memref<128xi32, #tpu.memory_space<vmem>>) semaphore(%arg11 : memref<!tpu.dma_semaphore, #tpu.memory_space<semaphore_mem>>)
    %dma_start3A_30 = arith.constant 1 : i32
    %dma_start3A_31 = arith.constant 0 : i32
    %dma_start3A_32 = tpu.memref_slice %arg7[%dma_start3A_30, %dma_start3A_31] : memref<40x128xi32, #tpu.memory_space<vmem>> -> memref<1x128xi32, #tpu.memory_space<vmem>>
    %dma_start3A_33 = tpu.memref_squeeze %dma_start3A_32 : memref<1x128xi32, #tpu.memory_space<vmem>> -> memref<128xi32, #tpu.memory_space<vmem>>
    %dma_start3A_34 = arith.constant 0 : i32
    %dma_start3A_35 = arith.constant 0 : i32
    %dma_start3A_36 = tpu.memref_slice %arg2[%dma_start3A_34, %dma_start3A_35] : memref<10000x128xf32, #tpu.memory_space<hbm>> -> memref<10000x128xf32, #tpu.memory_space<hbm>>
    tpu.enqueue_indirect_dma source(%dma_start3A_36 : memref<10000x128xf32, #tpu.memory_space<hbm>>) target(%arg10 : memref<128x128xf32, #tpu.memory_space<vmem>>) offsets(%dma_start3A_33 : memref<128xi32, #tpu.memory_space<vmem>>) semaphore(%arg12 : memref<!tpu.dma_semaphore, #tpu.memory_space<semaphore_mem>>)
    %scan3A_37 = arith.constant 0 : i32
    %scan3A_38 = arith.constant 0 : i32
    %scan3A_39 = arith.constant 20 : i32
    %scan3A_40 = arith.addi %scan3A_38, %scan3A_39 : i32
    %scan3A_41 = arith.constant 1 : i32
    scf.for %scan3A_48 = %scan3A_38 to %scan3A_40 step %scan3A_41  : i32 {
      %mul3A_49 = arith.constant 2 : i32
      %mul3A_50 = arith.muli %scan3A_48, %mul3A_49 : i32
      %dma_wait3A = arith.constant 0 : i32
      %dma_wait3A_51 = tpu.memref_slice %arg7[%mul3A_50, %dma_wait3A] : memref<40x128xi32, #tpu.memory_space<vmem>> -> memref<1x128xi32, #tpu.memory_space<vmem>>
      %dma_wait3A_52 = tpu.memref_squeeze %dma_wait3A_51 : memref<1x128xi32, #tpu.memory_space<vmem>> -> memref<128xi32, #tpu.memory_space<vmem>>
      %dma_wait3A_53 = arith.constant 0 : i32
      %dma_wait3A_54 = arith.constant 0 : i32
      %dma_wait3A_55 = tpu.memref_slice %arg2[%dma_wait3A_53, %dma_wait3A_54] : memref<10000x128xf32, #tpu.memory_space<hbm>> -> memref<10000x128xf32, #tpu.memory_space<hbm>>
      tpu.wait_indirect_dma semaphore(%arg11 : memref<!tpu.dma_semaphore, #tpu.memory_space<semaphore_mem>>) src(%dma_wait3A_55 : memref<10000x128xf32, #tpu.memory_space<hbm>>) dst(%arg9 : memref<128x128xf32, #tpu.memory_space<vmem>>)
      %add3A_56 = arith.constant 40 : i32
      %add3A_57 = arith.addi %add3A_56, %mul3A_50 : i32
      "tpu.region"() ({
        %run_scoped3A = tpu.sem_alloc : memref<!tpu.dma_semaphore, #tpu.memory_space<semaphore_mem>>
        %dma_start3A_81 = arith.constant 0 : i32
        %dma_start3A_82 = tpu.memref_slice %arg8[%add3A_57, %dma_start3A_81] : memref<80x128xi32, #tpu.memory_space<vmem>> -> memref<1x128xi32, #tpu.memory_space<vmem>>
        %dma_start3A_83 = tpu.memref_squeeze %dma_start3A_82 : memref<1x128xi32, #tpu.memory_space<vmem>> -> memref<128xi32, #tpu.memory_space<vmem>>
        %dma_start3A_84 = arith.constant 0 : i32
        %dma_start3A_85 = arith.constant 0 : i32
        %dma_start3A_86 = tpu.memref_slice %arg13[%dma_start3A_84, %dma_start3A_85] : memref<10112x128xf32, #tpu.memory_space<vmem_shared>> -> memref<10112x128xf32, #tpu.memory_space<vmem_shared>>
        tpu.enqueue_indirect_dma source(%arg9 : memref<128x128xf32, #tpu.memory_space<vmem>>) target(%dma_start3A_86 : memref<10112x128xf32, #tpu.memory_space<vmem_shared>>) offsets(%dma_start3A_83 : memref<128xi32, #tpu.memory_space<vmem>>) semaphore(%run_scoped3A : memref<!tpu.dma_semaphore, #tpu.memory_space<semaphore_mem>>) {add = true}
        %dma_wait3A_87 = arith.constant 0 : i32
        %dma_wait3A_88 = tpu.memref_slice %arg8[%add3A_57, %dma_wait3A_87] : memref<80x128xi32, #tpu.memory_space<vmem>> -> memref<1x128xi32, #tpu.memory_space<vmem>>
        %dma_wait3A_89 = tpu.memref_squeeze %dma_wait3A_88 : memref<1x128xi32, #tpu.memory_space<vmem>> -> memref<128xi32, #tpu.memory_space<vmem>>
        %dma_wait3A_90 = arith.constant 0 : i32
        %dma_wait3A_91 = arith.constant 0 : i32
        %dma_wait3A_92 = tpu.memref_slice %arg13[%dma_wait3A_90, %dma_wait3A_91] : memref<10112x128xf32, #tpu.memory_space<vmem_shared>> -> memref<10112x128xf32, #tpu.memory_space<vmem_shared>>
        tpu.wait_indirect_dma semaphore(%run_scoped3A : memref<!tpu.dma_semaphore, #tpu.memory_space<semaphore_mem>>) src(%arg9 : memref<128x128xf32, #tpu.memory_space<vmem>>) dst(%dma_wait3A_92 : memref<10112x128xf32, #tpu.memory_space<vmem_shared>>)
        tpu.yield
      }) : () -> ()
      %add3A_58 = arith.constant 2 : i32
      %add3A_59 = arith.addi %mul3A_50, %add3A_58 : i32
      %lt3A = arith.constant 40 : i32
      %lt3A_60 = arith.cmpi slt, %add3A_59, %lt3A : i32
      %convert_element_type3A = arith.extui %lt3A_60 : i1 to i32
      %cond3A = arith.constant 0 : i32
      %cond3A_61 = arith.cmpi ne, %convert_element_type3A, %cond3A : i32
      scf.if %cond3A_61 {
        %add3A_81 = arith.constant 2 : i32
        %add3A_82 = arith.addi %mul3A_50, %add3A_81 : i32
        %dma_start3A_83 = arith.constant 0 : i32
        %dma_start3A_84 = tpu.memref_slice %arg7[%add3A_82, %dma_start3A_83] : memref<40x128xi32, #tpu.memory_space<vmem>> -> memref<1x128xi32, #tpu.memory_space<vmem>>
        %dma_start3A_85 = tpu.memref_squeeze %dma_start3A_84 : memref<1x128xi32, #tpu.memory_space<vmem>> -> memref<128xi32, #tpu.memory_space<vmem>>
        %dma_start3A_86 = arith.constant 0 : i32
        %dma_start3A_87 = arith.constant 0 : i32
        %dma_start3A_88 = tpu.memref_slice %arg2[%dma_start3A_86, %dma_start3A_87] : memref<10000x128xf32, #tpu.memory_space<hbm>> -> memref<10000x128xf32, #tpu.memory_space<hbm>>
        tpu.enqueue_indirect_dma source(%dma_start3A_88 : memref<10000x128xf32, #tpu.memory_space<hbm>>) target(%arg9 : memref<128x128xf32, #tpu.memory_space<vmem>>) offsets(%dma_start3A_85 : memref<128xi32, #tpu.memory_space<vmem>>) semaphore(%arg11 : memref<!tpu.dma_semaphore, #tpu.memory_space<semaphore_mem>>)
      } else {
      }
      %add3A_62 = arith.constant 1 : i32
      %add3A_63 = arith.addi %mul3A_50, %add3A_62 : i32
      %dma_wait3A_64 = arith.constant 0 : i32
      %dma_wait3A_65 = tpu.memref_slice %arg7[%add3A_63, %dma_wait3A_64] : memref<40x128xi32, #tpu.memory_space<vmem>> -> memref<1x128xi32, #tpu.memory_space<vmem>>
      %dma_wait3A_66 = tpu.memref_squeeze %dma_wait3A_65 : memref<1x128xi32, #tpu.memory_space<vmem>> -> memref<128xi32, #tpu.memory_space<vmem>>
      %dma_wait3A_67 = arith.constant 0 : i32
      %dma_wait3A_68 = arith.constant 0 : i32
      %dma_wait3A_69 = tpu.memref_slice %arg2[%dma_wait3A_67, %dma_wait3A_68] : memref<10000x128xf32, #tpu.memory_space<hbm>> -> memref<10000x128xf32, #tpu.memory_space<hbm>>
      tpu.wait_indirect_dma semaphore(%arg12 : memref<!tpu.dma_semaphore, #tpu.memory_space<semaphore_mem>>) src(%dma_wait3A_69 : memref<10000x128xf32, #tpu.memory_space<hbm>>) dst(%arg10 : memref<128x128xf32, #tpu.memory_space<vmem>>)
      %add3A_70 = arith.constant 40 : i32
      %add3A_71 = arith.addi %add3A_70, %mul3A_50 : i32
      %add3A_72 = arith.constant 1 : i32
      %add3A_73 = arith.addi %add3A_71, %add3A_72 : i32
      "tpu.region"() ({
        %run_scoped3A = tpu.sem_alloc : memref<!tpu.dma_semaphore, #tpu.memory_space<semaphore_mem>>
        %dma_start3A_81 = arith.constant 0 : i32
        %dma_start3A_82 = tpu.memref_slice %arg8[%add3A_73, %dma_start3A_81] : memref<80x128xi32, #tpu.memory_space<vmem>> -> memref<1x128xi32, #tpu.memory_space<vmem>>
        %dma_start3A_83 = tpu.memref_squeeze %dma_start3A_82 : memref<1x128xi32, #tpu.memory_space<vmem>> -> memref<128xi32, #tpu.memory_space<vmem>>
        %dma_start3A_84 = arith.constant 0 : i32
        %dma_start3A_85 = arith.constant 0 : i32
        %dma_start3A_86 = tpu.memref_slice %arg13[%dma_start3A_84, %dma_start3A_85] : memref<10112x128xf32, #tpu.memory_space<vmem_shared>> -> memref<10112x128xf32, #tpu.memory_space<vmem_shared>>
        tpu.enqueue_indirect_dma source(%arg10 : memref<128x128xf32, #tpu.memory_space<vmem>>) target(%dma_start3A_86 : memref<10112x128xf32, #tpu.memory_space<vmem_shared>>) offsets(%dma_start3A_83 : memref<128xi32, #tpu.memory_space<vmem>>) semaphore(%run_scoped3A : memref<!tpu.dma_semaphore, #tpu.memory_space<semaphore_mem>>) {add = true}
        %dma_wait3A_87 = arith.constant 0 : i32
        %dma_wait3A_88 = tpu.memref_slice %arg8[%add3A_73, %dma_wait3A_87] : memref<80x128xi32, #tpu.memory_space<vmem>> -> memref<1x128xi32, #tpu.memory_space<vmem>>
        %dma_wait3A_89 = tpu.memref_squeeze %dma_wait3A_88 : memref<1x128xi32, #tpu.memory_space<vmem>> -> memref<128xi32, #tpu.memory_space<vmem>>
        %dma_wait3A_90 = arith.constant 0 : i32
        %dma_wait3A_91 = arith.constant 0 : i32
        %dma_wait3A_92 = tpu.memref_slice %arg13[%dma_wait3A_90, %dma_wait3A_91] : memref<10112x128xf32, #tpu.memory_space<vmem_shared>> -> memref<10112x128xf32, #tpu.memory_space<vmem_shared>>
        tpu.wait_indirect_dma semaphore(%run_scoped3A : memref<!tpu.dma_semaphore, #tpu.memory_space<semaphore_mem>>) src(%arg10 : memref<128x128xf32, #tpu.memory_space<vmem>>) dst(%dma_wait3A_92 : memref<10112x128xf32, #tpu.memory_space<vmem_shared>>)
        tpu.yield
      }) : () -> ()
      %add3A_74 = arith.constant 3 : i32
      %add3A_75 = arith.addi %mul3A_50, %add3A_74 : i32
      %lt3A_76 = arith.constant 40 : i32
      %lt3A_77 = arith.cmpi slt, %add3A_75, %lt3A_76 : i32
      %convert_element_type3A_78 = arith.extui %lt3A_77 : i1 to i32
      %cond3A_79 = arith.constant 0 : i32
      %cond3A_80 = arith.cmpi ne, %convert_element_type3A_78, %cond3A_79 : i32
      scf.if %cond3A_80 {
        %add3A_81 = arith.constant 3 : i32
        %add3A_82 = arith.addi %mul3A_50, %add3A_81 : i32
        %dma_start3A_83 = arith.constant 0 : i32
        %dma_start3A_84 = tpu.memref_slice %arg7[%add3A_82, %dma_start3A_83] : memref<40x128xi32, #tpu.memory_space<vmem>> -> memref<1x128xi32, #tpu.memory_space<vmem>>
        %dma_start3A_85 = tpu.memref_squeeze %dma_start3A_84 : memref<1x128xi32, #tpu.memory_space<vmem>> -> memref<128xi32, #tpu.memory_space<vmem>>
        %dma_start3A_86 = arith.constant 0 : i32
        %dma_start3A_87 = arith.constant 0 : i32
        %dma_start3A_88 = tpu.memref_slice %arg2[%dma_start3A_86, %dma_start3A_87] : memref<10000x128xf32, #tpu.memory_space<hbm>> -> memref<10000x128xf32, #tpu.memory_space<hbm>>
        tpu.enqueue_indirect_dma source(%dma_start3A_88 : memref<10000x128xf32, #tpu.memory_space<hbm>>) target(%arg10 : memref<128x128xf32, #tpu.memory_space<vmem>>) offsets(%dma_start3A_85 : memref<128xi32, #tpu.memory_space<vmem>>) semaphore(%arg12 : memref<!tpu.dma_semaphore, #tpu.memory_space<semaphore_mem>>)
      } else {
      }
    }
    %scan3A_42 = arith.constant 20 : i32
    %barrier3A_43 = arith.constant 0 : index
    tpu.barrier barrier_id(%barrier3A_43)
    %mul3A_44 = arith.constant 632 : i32
    %mul3A_45 = arith.muli %arg1, %mul3A_44 : i32
    %mul3A_46 = arith.constant 632 : i32
    %mul3A_47 = arith.muli %arg1, %mul3A_46 : i32
    "tpu.region"() ({
      %run_scoped3A = tpu.sem_alloc : memref<!tpu.dma_semaphore, #tpu.memory_space<semaphore_mem>>
      %dma_start3A_48 = arith.constant 0 : i32
      %dma_start3A_49 = tpu.memref_slice %arg6[%arg0, %mul3A_47, %dma_start3A_48] : memref<2x10112x128xf32, #tpu.memory_space<hbm>> -> memref<1x632x128xf32, #tpu.memory_space<hbm>>
      %dma_start3A_50 = tpu.memref_squeeze %dma_start3A_49 : memref<1x632x128xf32, #tpu.memory_space<hbm>> -> memref<632x128xf32, #tpu.memory_space<hbm>>
      %dma_start3A_51 = arith.constant 0 : i32
      %dma_start3A_52 = tpu.memref_slice %arg13[%mul3A_45, %dma_start3A_51] : memref<10112x128xf32, #tpu.memory_space<vmem_shared>> -> memref<632x128xf32, #tpu.memory_space<vmem_shared>>
      tpu.enqueue_dma source(%dma_start3A_52 : memref<632x128xf32, #tpu.memory_space<vmem_shared>>) target(%dma_start3A_50 : memref<632x128xf32, #tpu.memory_space<hbm>>) target_semaphore(%run_scoped3A : memref<!tpu.dma_semaphore, #tpu.memory_space<semaphore_mem>>)
      %dma_wait3A = arith.constant 0 : i32
      %dma_wait3A_53 = tpu.memref_slice %arg6[%arg0, %mul3A_47, %dma_wait3A] : memref<2x10112x128xf32, #tpu.memory_space<hbm>> -> memref<1x632x128xf32, #tpu.memory_space<hbm>>
      %dma_wait3A_54 = tpu.memref_squeeze %dma_wait3A_53 : memref<1x632x128xf32, #tpu.memory_space<hbm>> -> memref<632x128xf32, #tpu.memory_space<hbm>>
      %dma_wait3A_55 = arith.constant 0 : i32
      %dma_wait3A_56 = tpu.memref_slice %arg13[%mul3A_45, %dma_wait3A_55] : memref<10112x128xf32, #tpu.memory_space<vmem_shared>> -> memref<632x128xf32, #tpu.memory_space<vmem_shared>>
      tpu.wait_dma2 semaphore(%run_scoped3A : memref<!tpu.dma_semaphore, #tpu.memory_space<semaphore_mem>>) src(%dma_wait3A_56 : memref<632x128xf32, #tpu.memory_space<vmem_shared>>) dst(%dma_wait3A_54 : memref<632x128xf32, #tpu.memory_space<hbm>>)
      tpu.yield
    }) : () -> ()
    return
  }
}

#map = affine_map<(d0, d1) -> (0, 0, 0)>
#map1 = affine_map<(d0, d1) -> (0, 0)>
module attributes {stable_mosaic.version = 14 : i64} {
  func.func @_deg_kernel(%arg0: i32, %arg1: i32, %arg2: memref<32x160x128xi32, #tpu.memory_space<hbm>>, %arg3: memref<128x128xf32, #tpu.memory_space<hbm>>, %arg4: memref<10112x128xf32, #tpu.memory_space<hbm>>, %arg5: memref<2x10112x128xf32, #tpu.memory_space<hbm>>, %arg6: memref<160x128xi32, #tpu.memory_space<vmem>>, %arg7: memref<128x128xf32, #tpu.memory_space<vmem>>, %arg8: memref<10112x128xf32, #tpu.memory_space<vmem_shared>>) attributes {dimension_semantics = [#tpu.dimension_semantics<core_parallel>, #tpu.dimension_semantics<subcore_parallel>], iteration_bounds = array<i64: 2, 16>, scalar_prefetch = 0 : i64, scratch_operands = 3 : i64, tpu.core_type = #tpu.core_type<sc_vector_subcore>, window_params = [{transform_indices = #map}, {transform_indices = #map1}, {transform_indices = #map1}, {transform_indices = #map}]} {
    %mul3A = arith.constant 2 : i32
    %mul3A_0 = arith.muli %arg1, %mul3A : i32
    %add3A = arith.addi %mul3A_0, %arg0 : i32
    %mul3A_1 = arith.constant 632 : i32
    %mul3A_2 = arith.muli %arg1, %mul3A_1 : i32
    %mul3A_3 = arith.constant 632 : i32
    %mul3A_4 = arith.muli %arg1, %mul3A_3 : i32
    "tpu.region"() ({
      %run_scoped3A = tpu.sem_alloc : memref<!tpu.dma_semaphore, #tpu.memory_space<semaphore_mem>>
      %dma_start3A = arith.constant 0 : i32
      %dma_start3A_15 = tpu.memref_slice %arg8[%mul3A_4, %dma_start3A] : memref<10112x128xf32, #tpu.memory_space<vmem_shared>> -> memref<632x128xf32, #tpu.memory_space<vmem_shared>>
      %dma_start3A_16 = arith.constant 0 : i32
      %dma_start3A_17 = tpu.memref_slice %arg4[%mul3A_2, %dma_start3A_16] : memref<10112x128xf32, #tpu.memory_space<hbm>> -> memref<632x128xf32, #tpu.memory_space<hbm>>
      tpu.enqueue_dma source(%dma_start3A_17 : memref<632x128xf32, #tpu.memory_space<hbm>>) target(%dma_start3A_15 : memref<632x128xf32, #tpu.memory_space<vmem_shared>>) target_semaphore(%run_scoped3A : memref<!tpu.dma_semaphore, #tpu.memory_space<semaphore_mem>>)
      %dma_wait3A = arith.constant 0 : i32
      %dma_wait3A_18 = tpu.memref_slice %arg8[%mul3A_4, %dma_wait3A] : memref<10112x128xf32, #tpu.memory_space<vmem_shared>> -> memref<632x128xf32, #tpu.memory_space<vmem_shared>>
      %dma_wait3A_19 = arith.constant 0 : i32
      %dma_wait3A_20 = tpu.memref_slice %arg4[%mul3A_2, %dma_wait3A_19] : memref<10112x128xf32, #tpu.memory_space<hbm>> -> memref<632x128xf32, #tpu.memory_space<hbm>>
      tpu.wait_dma2 semaphore(%run_scoped3A : memref<!tpu.dma_semaphore, #tpu.memory_space<semaphore_mem>>) src(%dma_wait3A_20 : memref<632x128xf32, #tpu.memory_space<hbm>>) dst(%dma_wait3A_18 : memref<632x128xf32, #tpu.memory_space<vmem_shared>>)
      tpu.yield
    }) : () -> ()
    "tpu.region"() ({
      %run_scoped3A = tpu.sem_alloc : memref<!tpu.dma_semaphore, #tpu.memory_space<semaphore_mem>>
      tpu.enqueue_dma source(%arg3 : memref<128x128xf32, #tpu.memory_space<hbm>>) target(%arg7 : memref<128x128xf32, #tpu.memory_space<vmem>>) target_semaphore(%run_scoped3A : memref<!tpu.dma_semaphore, #tpu.memory_space<semaphore_mem>>)
      tpu.wait_dma2 semaphore(%run_scoped3A : memref<!tpu.dma_semaphore, #tpu.memory_space<semaphore_mem>>) src(%arg3 : memref<128x128xf32, #tpu.memory_space<hbm>>) dst(%arg7 : memref<128x128xf32, #tpu.memory_space<vmem>>)
      tpu.yield
    }) : () -> ()
    "tpu.region"() ({
      %run_scoped3A = tpu.sem_alloc : memref<!tpu.dma_semaphore, #tpu.memory_space<semaphore_mem>>
      %dma_start3A = arith.constant 0 : i32
      %dma_start3A_15 = arith.constant 0 : i32
      %dma_start3A_16 = tpu.memref_slice %arg2[%add3A, %dma_start3A, %dma_start3A_15] : memref<32x160x128xi32, #tpu.memory_space<hbm>> -> memref<1x160x128xi32, #tpu.memory_space<hbm>>
      %dma_start3A_17 = tpu.memref_squeeze %dma_start3A_16 : memref<1x160x128xi32, #tpu.memory_space<hbm>> -> memref<160x128xi32, #tpu.memory_space<hbm>>
      %dma_start3A_18 = arith.constant 0 : i32
      %dma_start3A_19 = arith.constant 0 : i32
      %dma_start3A_20 = tpu.memref_slice %arg2[%add3A, %dma_start3A_18, %dma_start3A_19] : memref<32x160x128xi32, #tpu.memory_space<hbm>> -> memref<1x160x128xi32, #tpu.memory_space<hbm>>
      %dma_start3A_21 = tpu.memref_squeeze %dma_start3A_20 : memref<1x160x128xi32, #tpu.memory_space<hbm>> -> memref<160x128xi32, #tpu.memory_space<hbm>>
      tpu.enqueue_dma source(%dma_start3A_21 : memref<160x128xi32, #tpu.memory_space<hbm>>) target(%arg6 : memref<160x128xi32, #tpu.memory_space<vmem>>) target_semaphore(%run_scoped3A : memref<!tpu.dma_semaphore, #tpu.memory_space<semaphore_mem>>)
      %dma_wait3A = arith.constant 0 : i32
      %dma_wait3A_22 = arith.constant 0 : i32
      %dma_wait3A_23 = tpu.memref_slice %arg2[%add3A, %dma_wait3A, %dma_wait3A_22] : memref<32x160x128xi32, #tpu.memory_space<hbm>> -> memref<1x160x128xi32, #tpu.memory_space<hbm>>
      %dma_wait3A_24 = tpu.memref_squeeze %dma_wait3A_23 : memref<1x160x128xi32, #tpu.memory_space<hbm>> -> memref<160x128xi32, #tpu.memory_space<hbm>>
      %dma_wait3A_25 = arith.constant 0 : i32
      %dma_wait3A_26 = arith.constant 0 : i32
      %dma_wait3A_27 = tpu.memref_slice %arg2[%add3A, %dma_wait3A_25, %dma_wait3A_26] : memref<32x160x128xi32, #tpu.memory_space<hbm>> -> memref<1x160x128xi32, #tpu.memory_space<hbm>>
      %dma_wait3A_28 = tpu.memref_squeeze %dma_wait3A_27 : memref<1x160x128xi32, #tpu.memory_space<hbm>> -> memref<160x128xi32, #tpu.memory_space<hbm>>
      tpu.wait_dma2 semaphore(%run_scoped3A : memref<!tpu.dma_semaphore, #tpu.memory_space<semaphore_mem>>) src(%dma_wait3A_28 : memref<160x128xi32, #tpu.memory_space<hbm>>) dst(%arg6 : memref<160x128xi32, #tpu.memory_space<vmem>>)
      tpu.yield
    }) : () -> ()
    %barrier3A = arith.constant 0 : index
    tpu.barrier barrier_id(%barrier3A)
    %scan3A = arith.constant 0 : i32
    %scan3A_5 = arith.constant 0 : i32
    %scan3A_6 = arith.constant 160 : i32
    %scan3A_7 = arith.addi %scan3A_5, %scan3A_6 : i32
    %scan3A_8 = arith.constant 1 : i32
    scf.for %scan3A_15 = %scan3A_5 to %scan3A_7 step %scan3A_8  : i32 {
      "tpu.region"() ({
        %run_scoped3A = tpu.sem_alloc : memref<!tpu.dma_semaphore, #tpu.memory_space<semaphore_mem>>
        %dma_start3A = arith.constant 0 : i32
        %dma_start3A_16 = tpu.memref_slice %arg6[%scan3A_15, %dma_start3A] : memref<160x128xi32, #tpu.memory_space<vmem>> -> memref<1x128xi32, #tpu.memory_space<vmem>>
        %dma_start3A_17 = tpu.memref_squeeze %dma_start3A_16 : memref<1x128xi32, #tpu.memory_space<vmem>> -> memref<128xi32, #tpu.memory_space<vmem>>
        %dma_start3A_18 = arith.constant 0 : i32
        %dma_start3A_19 = arith.constant 0 : i32
        %dma_start3A_20 = tpu.memref_slice %arg8[%dma_start3A_18, %dma_start3A_19] : memref<10112x128xf32, #tpu.memory_space<vmem_shared>> -> memref<10112x128xf32, #tpu.memory_space<vmem_shared>>
        tpu.enqueue_indirect_dma source(%arg7 : memref<128x128xf32, #tpu.memory_space<vmem>>) target(%dma_start3A_20 : memref<10112x128xf32, #tpu.memory_space<vmem_shared>>) offsets(%dma_start3A_17 : memref<128xi32, #tpu.memory_space<vmem>>) semaphore(%run_scoped3A : memref<!tpu.dma_semaphore, #tpu.memory_space<semaphore_mem>>) {add = true}
        %dma_wait3A = arith.constant 0 : i32
        %dma_wait3A_21 = tpu.memref_slice %arg6[%scan3A_15, %dma_wait3A] : memref<160x128xi32, #tpu.memory_space<vmem>> -> memref<1x128xi32, #tpu.memory_space<vmem>>
        %dma_wait3A_22 = tpu.memref_squeeze %dma_wait3A_21 : memref<1x128xi32, #tpu.memory_space<vmem>> -> memref<128xi32, #tpu.memory_space<vmem>>
        %dma_wait3A_23 = arith.constant 0 : i32
        %dma_wait3A_24 = arith.constant 0 : i32
        %dma_wait3A_25 = tpu.memref_slice %arg8[%dma_wait3A_23, %dma_wait3A_24] : memref<10112x128xf32, #tpu.memory_space<vmem_shared>> -> memref<10112x128xf32, #tpu.memory_space<vmem_shared>>
        tpu.wait_indirect_dma semaphore(%run_scoped3A : memref<!tpu.dma_semaphore, #tpu.memory_space<semaphore_mem>>) src(%arg7 : memref<128x128xf32, #tpu.memory_space<vmem>>) dst(%dma_wait3A_25 : memref<10112x128xf32, #tpu.memory_space<vmem_shared>>)
        tpu.yield
      }) : () -> ()
    }
    %scan3A_9 = arith.constant 160 : i32
    %barrier3A_10 = arith.constant 0 : index
    tpu.barrier barrier_id(%barrier3A_10)
    %mul3A_11 = arith.constant 632 : i32
    %mul3A_12 = arith.muli %arg1, %mul3A_11 : i32
    %mul3A_13 = arith.constant 632 : i32
    %mul3A_14 = arith.muli %arg1, %mul3A_13 : i32
    "tpu.region"() ({
      %run_scoped3A = tpu.sem_alloc : memref<!tpu.dma_semaphore, #tpu.memory_space<semaphore_mem>>
      %dma_start3A = arith.constant 0 : i32
      %dma_start3A_15 = tpu.memref_slice %arg5[%arg0, %mul3A_14, %dma_start3A] : memref<2x10112x128xf32, #tpu.memory_space<hbm>> -> memref<1x632x128xf32, #tpu.memory_space<hbm>>
      %dma_start3A_16 = tpu.memref_squeeze %dma_start3A_15 : memref<1x632x128xf32, #tpu.memory_space<hbm>> -> memref<632x128xf32, #tpu.memory_space<hbm>>
      %dma_start3A_17 = arith.constant 0 : i32
      %dma_start3A_18 = tpu.memref_slice %arg8[%mul3A_12, %dma_start3A_17] : memref<10112x128xf32, #tpu.memory_space<vmem_shared>> -> memref<632x128xf32, #tpu.memory_space<vmem_shared>>
      tpu.enqueue_dma source(%dma_start3A_18 : memref<632x128xf32, #tpu.memory_space<vmem_shared>>) target(%dma_start3A_16 : memref<632x128xf32, #tpu.memory_space<hbm>>) target_semaphore(%run_scoped3A : memref<!tpu.dma_semaphore, #tpu.memory_space<semaphore_mem>>)
      %dma_wait3A = arith.constant 0 : i32
      %dma_wait3A_19 = tpu.memref_slice %arg5[%arg0, %mul3A_14, %dma_wait3A] : memref<2x10112x128xf32, #tpu.memory_space<hbm>> -> memref<1x632x128xf32, #tpu.memory_space<hbm>>
      %dma_wait3A_20 = tpu.memref_squeeze %dma_wait3A_19 : memref<1x632x128xf32, #tpu.memory_space<hbm>> -> memref<632x128xf32, #tpu.memory_space<hbm>>
      %dma_wait3A_21 = arith.constant 0 : i32
      %dma_wait3A_22 = tpu.memref_slice %arg8[%mul3A_12, %dma_wait3A_21] : memref<10112x128xf32, #tpu.memory_space<vmem_shared>> -> memref<632x128xf32, #tpu.memory_space<vmem_shared>>
      tpu.wait_dma2 semaphore(%run_scoped3A : memref<!tpu.dma_semaphore, #tpu.memory_space<semaphore_mem>>) src(%dma_wait3A_22 : memref<632x128xf32, #tpu.memory_space<vmem_shared>>) dst(%dma_wait3A_20 : memref<632x128xf32, #tpu.memory_space<hbm>>)
      tpu.yield
    }) : () -> ()
    return
  }
}

#map = affine_map<(d0, d1) -> (0, 0)>
#map1 = affine_map<(d0, d1) -> (0, 0, 0)>
module attributes {stable_mosaic.version = 14 : i64} {
  func.func @_spmm_kernel(%arg0: i32, %arg1: i32, %arg2: memref<10000x128xf32, #tpu.memory_space<hbm>>, %arg3: memref<32x80x128xi32, #tpu.memory_space<hbm>>, %arg4: memref<32x80x128xi32, #tpu.memory_space<hbm>>, %arg5: memref<10112x128xf32, #tpu.memory_space<hbm>>, %arg6: memref<2x10112x128xf32, #tpu.memory_space<hbm>>, %arg7: memref<40x128xi32, #tpu.memory_space<vmem>>, %arg8: memref<80x128xi32, #tpu.memory_space<vmem>>, %arg9: memref<128x128xf32, #tpu.memory_space<vmem>>, %arg10: memref<128x128xf32, #tpu.memory_space<vmem>>, %arg11: memref<!tpu.dma_semaphore, #tpu.memory_space<semaphore_mem>>, %arg12: memref<!tpu.dma_semaphore, #tpu.memory_space<semaphore_mem>>, %arg13: memref<10112x128xf32, #tpu.memory_space<vmem_shared>>) attributes {dimension_semantics = [#tpu.dimension_semantics<core_parallel>, #tpu.dimension_semantics<subcore_parallel>], iteration_bounds = array<i64: 2, 16>, scalar_prefetch = 0 : i64, scratch_operands = 7 : i64, tpu.core_type = #tpu.core_type<sc_vector_subcore>, window_params = [{transform_indices = #map}, {transform_indices = #map1}, {transform_indices = #map1}, {transform_indices = #map}, {transform_indices = #map1}]} {
    %mul3A = arith.constant 2 : i32
    %mul3A_0 = arith.muli %arg1, %mul3A : i32
    %add3A = arith.addi %mul3A_0, %arg0 : i32
    %mul3A_1 = arith.constant 632 : i32
    %mul3A_2 = arith.muli %arg1, %mul3A_1 : i32
    %mul3A_3 = arith.constant 632 : i32
    %mul3A_4 = arith.muli %arg1, %mul3A_3 : i32
    "tpu.region"() ({
      %run_scoped3A = tpu.sem_alloc : memref<!tpu.dma_semaphore, #tpu.memory_space<semaphore_mem>>
      %dma_start3A_48 = arith.constant 0 : i32
      %dma_start3A_49 = tpu.memref_slice %arg13[%mul3A_4, %dma_start3A_48] : memref<10112x128xf32, #tpu.memory_space<vmem_shared>> -> memref<632x128xf32, #tpu.memory_space<vmem_shared>>
      %dma_start3A_50 = arith.constant 0 : i32
      %dma_start3A_51 = tpu.memref_slice %arg5[%mul3A_2, %dma_start3A_50] : memref<10112x128xf32, #tpu.memory_space<hbm>> -> memref<632x128xf32, #tpu.memory_space<hbm>>
      tpu.enqueue_dma source(%dma_start3A_51 : memref<632x128xf32, #tpu.memory_space<hbm>>) target(%dma_start3A_49 : memref<632x128xf32, #tpu.memory_space<vmem_shared>>) target_semaphore(%run_scoped3A : memref<!tpu.dma_semaphore, #tpu.memory_space<semaphore_mem>>)
      %dma_wait3A = arith.constant 0 : i32
      %dma_wait3A_52 = tpu.memref_slice %arg13[%mul3A_4, %dma_wait3A] : memref<10112x128xf32, #tpu.memory_space<vmem_shared>> -> memref<632x128xf32, #tpu.memory_space<vmem_shared>>
      %dma_wait3A_53 = arith.constant 0 : i32
      %dma_wait3A_54 = tpu.memref_slice %arg5[%mul3A_2, %dma_wait3A_53] : memref<10112x128xf32, #tpu.memory_space<hbm>> -> memref<632x128xf32, #tpu.memory_space<hbm>>
      tpu.wait_dma2 semaphore(%run_scoped3A : memref<!tpu.dma_semaphore, #tpu.memory_space<semaphore_mem>>) src(%dma_wait3A_54 : memref<632x128xf32, #tpu.memory_space<hbm>>) dst(%dma_wait3A_52 : memref<632x128xf32, #tpu.memory_space<vmem_shared>>)
      tpu.yield
    }) : () -> ()
    "tpu.region"() ({
      %run_scoped3A = tpu.sem_alloc : memref<!tpu.dma_semaphore, #tpu.memory_space<semaphore_mem>>
      %dma_start3A_48 = arith.constant 0 : i32
      %dma_start3A_49 = arith.constant 0 : i32
      %dma_start3A_50 = tpu.memref_slice %arg4[%add3A, %dma_start3A_48, %dma_start3A_49] : memref<32x80x128xi32, #tpu.memory_space<hbm>> -> memref<1x80x128xi32, #tpu.memory_space<hbm>>
      %dma_start3A_51 = tpu.memref_squeeze %dma_start3A_50 : memref<1x80x128xi32, #tpu.memory_space<hbm>> -> memref<80x128xi32, #tpu.memory_space<hbm>>
      %dma_start3A_52 = arith.constant 0 : i32
      %dma_start3A_53 = arith.constant 0 : i32
      %dma_start3A_54 = tpu.memref_slice %arg4[%add3A, %dma_start3A_52, %dma_start3A_53] : memref<32x80x128xi32, #tpu.memory_space<hbm>> -> memref<1x80x128xi32, #tpu.memory_space<hbm>>
      %dma_start3A_55 = tpu.memref_squeeze %dma_start3A_54 : memref<1x80x128xi32, #tpu.memory_space<hbm>> -> memref<80x128xi32, #tpu.memory_space<hbm>>
      tpu.enqueue_dma source(%dma_start3A_55 : memref<80x128xi32, #tpu.memory_space<hbm>>) target(%arg8 : memref<80x128xi32, #tpu.memory_space<vmem>>) target_semaphore(%run_scoped3A : memref<!tpu.dma_semaphore, #tpu.memory_space<semaphore_mem>>)
      %dma_wait3A = arith.constant 0 : i32
      %dma_wait3A_56 = arith.constant 0 : i32
      %dma_wait3A_57 = tpu.memref_slice %arg4[%add3A, %dma_wait3A, %dma_wait3A_56] : memref<32x80x128xi32, #tpu.memory_space<hbm>> -> memref<1x80x128xi32, #tpu.memory_space<hbm>>
      %dma_wait3A_58 = tpu.memref_squeeze %dma_wait3A_57 : memref<1x80x128xi32, #tpu.memory_space<hbm>> -> memref<80x128xi32, #tpu.memory_space<hbm>>
      %dma_wait3A_59 = arith.constant 0 : i32
      %dma_wait3A_60 = arith.constant 0 : i32
      %dma_wait3A_61 = tpu.memref_slice %arg4[%add3A, %dma_wait3A_59, %dma_wait3A_60] : memref<32x80x128xi32, #tpu.memory_space<hbm>> -> memref<1x80x128xi32, #tpu.memory_space<hbm>>
      %dma_wait3A_62 = tpu.memref_squeeze %dma_wait3A_61 : memref<1x80x128xi32, #tpu.memory_space<hbm>> -> memref<80x128xi32, #tpu.memory_space<hbm>>
      tpu.wait_dma2 semaphore(%run_scoped3A : memref<!tpu.dma_semaphore, #tpu.memory_space<semaphore_mem>>) src(%dma_wait3A_62 : memref<80x128xi32, #tpu.memory_space<hbm>>) dst(%arg8 : memref<80x128xi32, #tpu.memory_space<vmem>>)
      tpu.yield
    }) : () -> ()
    %barrier3A = arith.constant 0 : index
    tpu.barrier barrier_id(%barrier3A)
    "tpu.region"() ({
      %run_scoped3A = tpu.sem_alloc : memref<!tpu.dma_semaphore, #tpu.memory_space<semaphore_mem>>
      %dma_start3A_48 = arith.constant 0 : i32
      %dma_start3A_49 = arith.constant 0 : i32
      %dma_start3A_50 = tpu.memref_slice %arg3[%add3A, %dma_start3A_48, %dma_start3A_49] : memref<32x80x128xi32, #tpu.memory_space<hbm>> -> memref<1x40x128xi32, #tpu.memory_space<hbm>>
      %dma_start3A_51 = tpu.memref_squeeze %dma_start3A_50 : memref<1x40x128xi32, #tpu.memory_space<hbm>> -> memref<40x128xi32, #tpu.memory_space<hbm>>
      %dma_start3A_52 = arith.constant 0 : i32
      %dma_start3A_53 = arith.constant 0 : i32
      %dma_start3A_54 = tpu.memref_slice %arg3[%add3A, %dma_start3A_52, %dma_start3A_53] : memref<32x80x128xi32, #tpu.memory_space<hbm>> -> memref<1x40x128xi32, #tpu.memory_space<hbm>>
      %dma_start3A_55 = tpu.memref_squeeze %dma_start3A_54 : memref<1x40x128xi32, #tpu.memory_space<hbm>> -> memref<40x128xi32, #tpu.memory_space<hbm>>
      tpu.enqueue_dma source(%dma_start3A_55 : memref<40x128xi32, #tpu.memory_space<hbm>>) target(%arg7 : memref<40x128xi32, #tpu.memory_space<vmem>>) target_semaphore(%run_scoped3A : memref<!tpu.dma_semaphore, #tpu.memory_space<semaphore_mem>>)
      %dma_wait3A = arith.constant 0 : i32
      %dma_wait3A_56 = arith.constant 0 : i32
      %dma_wait3A_57 = tpu.memref_slice %arg3[%add3A, %dma_wait3A, %dma_wait3A_56] : memref<32x80x128xi32, #tpu.memory_space<hbm>> -> memref<1x40x128xi32, #tpu.memory_space<hbm>>
      %dma_wait3A_58 = tpu.memref_squeeze %dma_wait3A_57 : memref<1x40x128xi32, #tpu.memory_space<hbm>> -> memref<40x128xi32, #tpu.memory_space<hbm>>
      %dma_wait3A_59 = arith.constant 0 : i32
      %dma_wait3A_60 = arith.constant 0 : i32
      %dma_wait3A_61 = tpu.memref_slice %arg3[%add3A, %dma_wait3A_59, %dma_wait3A_60] : memref<32x80x128xi32, #tpu.memory_space<hbm>> -> memref<1x40x128xi32, #tpu.memory_space<hbm>>
      %dma_wait3A_62 = tpu.memref_squeeze %dma_wait3A_61 : memref<1x40x128xi32, #tpu.memory_space<hbm>> -> memref<40x128xi32, #tpu.memory_space<hbm>>
      tpu.wait_dma2 semaphore(%run_scoped3A : memref<!tpu.dma_semaphore, #tpu.memory_space<semaphore_mem>>) src(%dma_wait3A_62 : memref<40x128xi32, #tpu.memory_space<hbm>>) dst(%arg7 : memref<40x128xi32, #tpu.memory_space<vmem>>)
      tpu.yield
    }) : () -> ()
    %dma_start3A = arith.constant 0 : i32
    %dma_start3A_5 = arith.constant 0 : i32
    %dma_start3A_6 = tpu.memref_slice %arg7[%dma_start3A, %dma_start3A_5] : memref<40x128xi32, #tpu.memory_space<vmem>> -> memref<1x128xi32, #tpu.memory_space<vmem>>
    %dma_start3A_7 = tpu.memref_squeeze %dma_start3A_6 : memref<1x128xi32, #tpu.memory_space<vmem>> -> memref<128xi32, #tpu.memory_space<vmem>>
    %dma_start3A_8 = arith.constant 0 : i32
    %dma_start3A_9 = arith.constant 0 : i32
    %dma_start3A_10 = tpu.memref_slice %arg2[%dma_start3A_8, %dma_start3A_9] : memref<10000x128xf32, #tpu.memory_space<hbm>> -> memref<10000x128xf32, #tpu.memory_space<hbm>>
    tpu.enqueue_indirect_dma source(%dma_start3A_10 : memref<10000x128xf32, #tpu.memory_space<hbm>>) target(%arg9 : memref<128x128xf32, #tpu.memory_space<vmem>>) offsets(%dma_start3A_7 : memref<128xi32, #tpu.memory_space<vmem>>) semaphore(%arg11 : memref<!tpu.dma_semaphore, #tpu.memory_space<semaphore_mem>>)
    %dma_start3A_11 = arith.constant 1 : i32
    %dma_start3A_12 = arith.constant 0 : i32
    %dma_start3A_13 = tpu.memref_slice %arg7[%dma_start3A_11, %dma_start3A_12] : memref<40x128xi32, #tpu.memory_space<vmem>> -> memref<1x128xi32, #tpu.memory_space<vmem>>
    %dma_start3A_14 = tpu.memref_squeeze %dma_start3A_13 : memref<1x128xi32, #tpu.memory_space<vmem>> -> memref<128xi32, #tpu.memory_space<vmem>>
    %dma_start3A_15 = arith.constant 0 : i32
    %dma_start3A_16 = arith.constant 0 : i32
    %dma_start3A_17 = tpu.memref_slice %arg2[%dma_start3A_15, %dma_start3A_16] : memref<10000x128xf32, #tpu.memory_space<hbm>> -> memref<10000x128xf32, #tpu.memory_space<hbm>>
    tpu.enqueue_indirect_dma source(%dma_start3A_17 : memref<10000x128xf32, #tpu.memory_space<hbm>>) target(%arg10 : memref<128x128xf32, #tpu.memory_space<vmem>>) offsets(%dma_start3A_14 : memref<128xi32, #tpu.memory_space<vmem>>) semaphore(%arg12 : memref<!tpu.dma_semaphore, #tpu.memory_space<semaphore_mem>>)
    %scan3A = arith.constant 0 : i32
    %scan3A_18 = arith.constant 0 : i32
    %scan3A_19 = arith.constant 20 : i32
    %scan3A_20 = arith.addi %scan3A_18, %scan3A_19 : i32
    %scan3A_21 = arith.constant 1 : i32
    scf.for %scan3A_48 = %scan3A_18 to %scan3A_20 step %scan3A_21  : i32 {
      %mul3A_49 = arith.constant 2 : i32
      %mul3A_50 = arith.muli %scan3A_48, %mul3A_49 : i32
      %dma_wait3A = arith.constant 0 : i32
      %dma_wait3A_51 = tpu.memref_slice %arg7[%mul3A_50, %dma_wait3A] : memref<40x128xi32, #tpu.memory_space<vmem>> -> memref<1x128xi32, #tpu.memory_space<vmem>>
      %dma_wait3A_52 = tpu.memref_squeeze %dma_wait3A_51 : memref<1x128xi32, #tpu.memory_space<vmem>> -> memref<128xi32, #tpu.memory_space<vmem>>
      %dma_wait3A_53 = arith.constant 0 : i32
      %dma_wait3A_54 = arith.constant 0 : i32
      %dma_wait3A_55 = tpu.memref_slice %arg2[%dma_wait3A_53, %dma_wait3A_54] : memref<10000x128xf32, #tpu.memory_space<hbm>> -> memref<10000x128xf32, #tpu.memory_space<hbm>>
      tpu.wait_indirect_dma semaphore(%arg11 : memref<!tpu.dma_semaphore, #tpu.memory_space<semaphore_mem>>) src(%dma_wait3A_55 : memref<10000x128xf32, #tpu.memory_space<hbm>>) dst(%arg9 : memref<128x128xf32, #tpu.memory_space<vmem>>)
      %add3A_56 = arith.constant 0 : i32
      %add3A_57 = arith.addi %add3A_56, %mul3A_50 : i32
      "tpu.region"() ({
        %run_scoped3A = tpu.sem_alloc : memref<!tpu.dma_semaphore, #tpu.memory_space<semaphore_mem>>
        %dma_start3A_81 = arith.constant 0 : i32
        %dma_start3A_82 = tpu.memref_slice %arg8[%add3A_57, %dma_start3A_81] : memref<80x128xi32, #tpu.memory_space<vmem>> -> memref<1x128xi32, #tpu.memory_space<vmem>>
        %dma_start3A_83 = tpu.memref_squeeze %dma_start3A_82 : memref<1x128xi32, #tpu.memory_space<vmem>> -> memref<128xi32, #tpu.memory_space<vmem>>
        %dma_start3A_84 = arith.constant 0 : i32
        %dma_start3A_85 = arith.constant 0 : i32
        %dma_start3A_86 = tpu.memref_slice %arg13[%dma_start3A_84, %dma_start3A_85] : memref<10112x128xf32, #tpu.memory_space<vmem_shared>> -> memref<10112x128xf32, #tpu.memory_space<vmem_shared>>
        tpu.enqueue_indirect_dma source(%arg9 : memref<128x128xf32, #tpu.memory_space<vmem>>) target(%dma_start3A_86 : memref<10112x128xf32, #tpu.memory_space<vmem_shared>>) offsets(%dma_start3A_83 : memref<128xi32, #tpu.memory_space<vmem>>) semaphore(%run_scoped3A : memref<!tpu.dma_semaphore, #tpu.memory_space<semaphore_mem>>) {add = true}
        %dma_wait3A_87 = arith.constant 0 : i32
        %dma_wait3A_88 = tpu.memref_slice %arg8[%add3A_57, %dma_wait3A_87] : memref<80x128xi32, #tpu.memory_space<vmem>> -> memref<1x128xi32, #tpu.memory_space<vmem>>
        %dma_wait3A_89 = tpu.memref_squeeze %dma_wait3A_88 : memref<1x128xi32, #tpu.memory_space<vmem>> -> memref<128xi32, #tpu.memory_space<vmem>>
        %dma_wait3A_90 = arith.constant 0 : i32
        %dma_wait3A_91 = arith.constant 0 : i32
        %dma_wait3A_92 = tpu.memref_slice %arg13[%dma_wait3A_90, %dma_wait3A_91] : memref<10112x128xf32, #tpu.memory_space<vmem_shared>> -> memref<10112x128xf32, #tpu.memory_space<vmem_shared>>
        tpu.wait_indirect_dma semaphore(%run_scoped3A : memref<!tpu.dma_semaphore, #tpu.memory_space<semaphore_mem>>) src(%arg9 : memref<128x128xf32, #tpu.memory_space<vmem>>) dst(%dma_wait3A_92 : memref<10112x128xf32, #tpu.memory_space<vmem_shared>>)
        tpu.yield
      }) : () -> ()
      %add3A_58 = arith.constant 2 : i32
      %add3A_59 = arith.addi %mul3A_50, %add3A_58 : i32
      %lt3A = arith.constant 40 : i32
      %lt3A_60 = arith.cmpi slt, %add3A_59, %lt3A : i32
      %convert_element_type3A = arith.extui %lt3A_60 : i1 to i32
      %cond3A = arith.constant 0 : i32
      %cond3A_61 = arith.cmpi ne, %convert_element_type3A, %cond3A : i32
      scf.if %cond3A_61 {
        %add3A_81 = arith.constant 2 : i32
        %add3A_82 = arith.addi %mul3A_50, %add3A_81 : i32
        %dma_start3A_83 = arith.constant 0 : i32
        %dma_start3A_84 = tpu.memref_slice %arg7[%add3A_82, %dma_start3A_83] : memref<40x128xi32, #tpu.memory_space<vmem>> -> memref<1x128xi32, #tpu.memory_space<vmem>>
        %dma_start3A_85 = tpu.memref_squeeze %dma_start3A_84 : memref<1x128xi32, #tpu.memory_space<vmem>> -> memref<128xi32, #tpu.memory_space<vmem>>
        %dma_start3A_86 = arith.constant 0 : i32
        %dma_start3A_87 = arith.constant 0 : i32
        %dma_start3A_88 = tpu.memref_slice %arg2[%dma_start3A_86, %dma_start3A_87] : memref<10000x128xf32, #tpu.memory_space<hbm>> -> memref<10000x128xf32, #tpu.memory_space<hbm>>
        tpu.enqueue_indirect_dma source(%dma_start3A_88 : memref<10000x128xf32, #tpu.memory_space<hbm>>) target(%arg9 : memref<128x128xf32, #tpu.memory_space<vmem>>) offsets(%dma_start3A_85 : memref<128xi32, #tpu.memory_space<vmem>>) semaphore(%arg11 : memref<!tpu.dma_semaphore, #tpu.memory_space<semaphore_mem>>)
      } else {
      }
      %add3A_62 = arith.constant 1 : i32
      %add3A_63 = arith.addi %mul3A_50, %add3A_62 : i32
      %dma_wait3A_64 = arith.constant 0 : i32
      %dma_wait3A_65 = tpu.memref_slice %arg7[%add3A_63, %dma_wait3A_64] : memref<40x128xi32, #tpu.memory_space<vmem>> -> memref<1x128xi32, #tpu.memory_space<vmem>>
      %dma_wait3A_66 = tpu.memref_squeeze %dma_wait3A_65 : memref<1x128xi32, #tpu.memory_space<vmem>> -> memref<128xi32, #tpu.memory_space<vmem>>
      %dma_wait3A_67 = arith.constant 0 : i32
      %dma_wait3A_68 = arith.constant 0 : i32
      %dma_wait3A_69 = tpu.memref_slice %arg2[%dma_wait3A_67, %dma_wait3A_68] : memref<10000x128xf32, #tpu.memory_space<hbm>> -> memref<10000x128xf32, #tpu.memory_space<hbm>>
      tpu.wait_indirect_dma semaphore(%arg12 : memref<!tpu.dma_semaphore, #tpu.memory_space<semaphore_mem>>) src(%dma_wait3A_69 : memref<10000x128xf32, #tpu.memory_space<hbm>>) dst(%arg10 : memref<128x128xf32, #tpu.memory_space<vmem>>)
      %add3A_70 = arith.constant 0 : i32
      %add3A_71 = arith.addi %add3A_70, %mul3A_50 : i32
      %add3A_72 = arith.constant 1 : i32
      %add3A_73 = arith.addi %add3A_71, %add3A_72 : i32
      "tpu.region"() ({
        %run_scoped3A = tpu.sem_alloc : memref<!tpu.dma_semaphore, #tpu.memory_space<semaphore_mem>>
        %dma_start3A_81 = arith.constant 0 : i32
        %dma_start3A_82 = tpu.memref_slice %arg8[%add3A_73, %dma_start3A_81] : memref<80x128xi32, #tpu.memory_space<vmem>> -> memref<1x128xi32, #tpu.memory_space<vmem>>
        %dma_start3A_83 = tpu.memref_squeeze %dma_start3A_82 : memref<1x128xi32, #tpu.memory_space<vmem>> -> memref<128xi32, #tpu.memory_space<vmem>>
        %dma_start3A_84 = arith.constant 0 : i32
        %dma_start3A_85 = arith.constant 0 : i32
        %dma_start3A_86 = tpu.memref_slice %arg13[%dma_start3A_84, %dma_start3A_85] : memref<10112x128xf32, #tpu.memory_space<vmem_shared>> -> memref<10112x128xf32, #tpu.memory_space<vmem_shared>>
        tpu.enqueue_indirect_dma source(%arg10 : memref<128x128xf32, #tpu.memory_space<vmem>>) target(%dma_start3A_86 : memref<10112x128xf32, #tpu.memory_space<vmem_shared>>) offsets(%dma_start3A_83 : memref<128xi32, #tpu.memory_space<vmem>>) semaphore(%run_scoped3A : memref<!tpu.dma_semaphore, #tpu.memory_space<semaphore_mem>>) {add = true}
        %dma_wait3A_87 = arith.constant 0 : i32
        %dma_wait3A_88 = tpu.memref_slice %arg8[%add3A_73, %dma_wait3A_87] : memref<80x128xi32, #tpu.memory_space<vmem>> -> memref<1x128xi32, #tpu.memory_space<vmem>>
        %dma_wait3A_89 = tpu.memref_squeeze %dma_wait3A_88 : memref<1x128xi32, #tpu.memory_space<vmem>> -> memref<128xi32, #tpu.memory_space<vmem>>
        %dma_wait3A_90 = arith.constant 0 : i32
        %dma_wait3A_91 = arith.constant 0 : i32
        %dma_wait3A_92 = tpu.memref_slice %arg13[%dma_wait3A_90, %dma_wait3A_91] : memref<10112x128xf32, #tpu.memory_space<vmem_shared>> -> memref<10112x128xf32, #tpu.memory_space<vmem_shared>>
        tpu.wait_indirect_dma semaphore(%run_scoped3A : memref<!tpu.dma_semaphore, #tpu.memory_space<semaphore_mem>>) src(%arg10 : memref<128x128xf32, #tpu.memory_space<vmem>>) dst(%dma_wait3A_92 : memref<10112x128xf32, #tpu.memory_space<vmem_shared>>)
        tpu.yield
      }) : () -> ()
      %add3A_74 = arith.constant 3 : i32
      %add3A_75 = arith.addi %mul3A_50, %add3A_74 : i32
      %lt3A_76 = arith.constant 40 : i32
      %lt3A_77 = arith.cmpi slt, %add3A_75, %lt3A_76 : i32
      %convert_element_type3A_78 = arith.extui %lt3A_77 : i1 to i32
      %cond3A_79 = arith.constant 0 : i32
      %cond3A_80 = arith.cmpi ne, %convert_element_type3A_78, %cond3A_79 : i32
      scf.if %cond3A_80 {
        %add3A_81 = arith.constant 3 : i32
        %add3A_82 = arith.addi %mul3A_50, %add3A_81 : i32
        %dma_start3A_83 = arith.constant 0 : i32
        %dma_start3A_84 = tpu.memref_slice %arg7[%add3A_82, %dma_start3A_83] : memref<40x128xi32, #tpu.memory_space<vmem>> -> memref<1x128xi32, #tpu.memory_space<vmem>>
        %dma_start3A_85 = tpu.memref_squeeze %dma_start3A_84 : memref<1x128xi32, #tpu.memory_space<vmem>> -> memref<128xi32, #tpu.memory_space<vmem>>
        %dma_start3A_86 = arith.constant 0 : i32
        %dma_start3A_87 = arith.constant 0 : i32
        %dma_start3A_88 = tpu.memref_slice %arg2[%dma_start3A_86, %dma_start3A_87] : memref<10000x128xf32, #tpu.memory_space<hbm>> -> memref<10000x128xf32, #tpu.memory_space<hbm>>
        tpu.enqueue_indirect_dma source(%dma_start3A_88 : memref<10000x128xf32, #tpu.memory_space<hbm>>) target(%arg10 : memref<128x128xf32, #tpu.memory_space<vmem>>) offsets(%dma_start3A_85 : memref<128xi32, #tpu.memory_space<vmem>>) semaphore(%arg12 : memref<!tpu.dma_semaphore, #tpu.memory_space<semaphore_mem>>)
      } else {
      }
    }
    %scan3A_22 = arith.constant 20 : i32
    "tpu.region"() ({
      %run_scoped3A = tpu.sem_alloc : memref<!tpu.dma_semaphore, #tpu.memory_space<semaphore_mem>>
      %dma_start3A_48 = arith.constant 40 : i32
      %dma_start3A_49 = arith.constant 0 : i32
      %dma_start3A_50 = tpu.memref_slice %arg3[%add3A, %dma_start3A_48, %dma_start3A_49] : memref<32x80x128xi32, #tpu.memory_space<hbm>> -> memref<1x40x128xi32, #tpu.memory_space<hbm>>
      %dma_start3A_51 = tpu.memref_squeeze %dma_start3A_50 : memref<1x40x128xi32, #tpu.memory_space<hbm>> -> memref<40x128xi32, #tpu.memory_space<hbm>>
      %dma_start3A_52 = arith.constant 40 : i32
      %dma_start3A_53 = arith.constant 0 : i32
      %dma_start3A_54 = tpu.memref_slice %arg3[%add3A, %dma_start3A_52, %dma_start3A_53] : memref<32x80x128xi32, #tpu.memory_space<hbm>> -> memref<1x40x128xi32, #tpu.memory_space<hbm>>
      %dma_start3A_55 = tpu.memref_squeeze %dma_start3A_54 : memref<1x40x128xi32, #tpu.memory_space<hbm>> -> memref<40x128xi32, #tpu.memory_space<hbm>>
      tpu.enqueue_dma source(%dma_start3A_55 : memref<40x128xi32, #tpu.memory_space<hbm>>) target(%arg7 : memref<40x128xi32, #tpu.memory_space<vmem>>) target_semaphore(%run_scoped3A : memref<!tpu.dma_semaphore, #tpu.memory_space<semaphore_mem>>)
      %dma_wait3A = arith.constant 40 : i32
      %dma_wait3A_56 = arith.constant 0 : i32
      %dma_wait3A_57 = tpu.memref_slice %arg3[%add3A, %dma_wait3A, %dma_wait3A_56] : memref<32x80x128xi32, #tpu.memory_space<hbm>> -> memref<1x40x128xi32, #tpu.memory_space<hbm>>
      %dma_wait3A_58 = tpu.memref_squeeze %dma_wait3A_57 : memref<1x40x128xi32, #tpu.memory_space<hbm>> -> memref<40x128xi32, #tpu.memory_space<hbm>>
      %dma_wait3A_59 = arith.constant 40 : i32
      %dma_wait3A_60 = arith.constant 0 : i32
      %dma_wait3A_61 = tpu.memref_slice %arg3[%add3A, %dma_wait3A_59, %dma_wait3A_60] : memref<32x80x128xi32, #tpu.memory_space<hbm>> -> memref<1x40x128xi32, #tpu.memory_space<hbm>>
      %dma_wait3A_62 = tpu.memref_squeeze %dma_wait3A_61 : memref<1x40x128xi32, #tpu.memory_space<hbm>> -> memref<40x128xi32, #tpu.memory_space<hbm>>
      tpu.wait_dma2 semaphore(%run_scoped3A : memref<!tpu.dma_semaphore, #tpu.memory_space<semaphore_mem>>) src(%dma_wait3A_62 : memref<40x128xi32, #tpu.memory_space<hbm>>) dst(%arg7 : memref<40x128xi32, #tpu.memory_space<vmem>>)
      tpu.yield
    }) : () -> ()
    %dma_start3A_23 = arith.constant 0 : i32
    %dma_start3A_24 = arith.constant 0 : i32
    %dma_start3A_25 = tpu.memref_slice %arg7[%dma_start3A_23, %dma_start3A_24] : memref<40x128xi32, #tpu.memory_space<vmem>> -> memref<1x128xi32, #tpu.memory_space<vmem>>
    %dma_start3A_26 = tpu.memref_squeeze %dma_start3A_25 : memref<1x128xi32, #tpu.memory_space<vmem>> -> memref<128xi32, #tpu.memory_space<vmem>>
    %dma_start3A_27 = arith.constant 0 : i32
    %dma_start3A_28 = arith.constant 0 : i32
    %dma_start3A_29 = tpu.memref_slice %arg2[%dma_start3A_27, %dma_start3A_28] : memref<10000x128xf32, #tpu.memory_space<hbm>> -> memref<10000x128xf32, #tpu.memory_space<hbm>>
    tpu.enqueue_indirect_dma source(%dma_start3A_29 : memref<10000x128xf32, #tpu.memory_space<hbm>>) target(%arg9 : memref<128x128xf32, #tpu.memory_space<vmem>>) offsets(%dma_start3A_26 : memref<128xi32, #tpu.memory_space<vmem>>) semaphore(%arg11 : memref<!tpu.dma_semaphore, #tpu.memory_space<semaphore_mem>>)
    %dma_start3A_30 = arith.constant 1 : i32
    %dma_start3A_31 = arith.constant 0 : i32
    %dma_start3A_32 = tpu.memref_slice %arg7[%dma_start3A_30, %dma_start3A_31] : memref<40x128xi32, #tpu.memory_space<vmem>> -> memref<1x128xi32, #tpu.memory_space<vmem>>
    %dma_start3A_33 = tpu.memref_squeeze %dma_start3A_32 : memref<1x128xi32, #tpu.memory_space<vmem>> -> memref<128xi32, #tpu.memory_space<vmem>>
    %dma_start3A_34 = arith.constant 0 : i32
    %dma_start3A_35 = arith.constant 0 : i32
    %dma_start3A_36 = tpu.memref_slice %arg2[%dma_start3A_34, %dma_start3A_35] : memref<10000x128xf32, #tpu.memory_space<hbm>> -> memref<10000x128xf32, #tpu.memory_space<hbm>>
    tpu.enqueue_indirect_dma source(%dma_start3A_36 : memref<10000x128xf32, #tpu.memory_space<hbm>>) target(%arg10 : memref<128x128xf32, #tpu.memory_space<vmem>>) offsets(%dma_start3A_33 : memref<128xi32, #tpu.memory_space<vmem>>) semaphore(%arg12 : memref<!tpu.dma_semaphore, #tpu.memory_space<semaphore_mem>>)
    %scan3A_37 = arith.constant 0 : i32
    %scan3A_38 = arith.constant 0 : i32
    %scan3A_39 = arith.constant 20 : i32
    %scan3A_40 = arith.addi %scan3A_38, %scan3A_39 : i32
    %scan3A_41 = arith.constant 1 : i32
    scf.for %scan3A_48 = %scan3A_38 to %scan3A_40 step %scan3A_41  : i32 {
      %mul3A_49 = arith.constant 2 : i32
      %mul3A_50 = arith.muli %scan3A_48, %mul3A_49 : i32
      %dma_wait3A = arith.constant 0 : i32
      %dma_wait3A_51 = tpu.memref_slice %arg7[%mul3A_50, %dma_wait3A] : memref<40x128xi32, #tpu.memory_space<vmem>> -> memref<1x128xi32, #tpu.memory_space<vmem>>
      %dma_wait3A_52 = tpu.memref_squeeze %dma_wait3A_51 : memref<1x128xi32, #tpu.memory_space<vmem>> -> memref<128xi32, #tpu.memory_space<vmem>>
      %dma_wait3A_53 = arith.constant 0 : i32
      %dma_wait3A_54 = arith.constant 0 : i32
      %dma_wait3A_55 = tpu.memref_slice %arg2[%dma_wait3A_53, %dma_wait3A_54] : memref<10000x128xf32, #tpu.memory_space<hbm>> -> memref<10000x128xf32, #tpu.memory_space<hbm>>
      tpu.wait_indirect_dma semaphore(%arg11 : memref<!tpu.dma_semaphore, #tpu.memory_space<semaphore_mem>>) src(%dma_wait3A_55 : memref<10000x128xf32, #tpu.memory_space<hbm>>) dst(%arg9 : memref<128x128xf32, #tpu.memory_space<vmem>>)
      %add3A_56 = arith.constant 40 : i32
      %add3A_57 = arith.addi %add3A_56, %mul3A_50 : i32
      "tpu.region"() ({
        %run_scoped3A = tpu.sem_alloc : memref<!tpu.dma_semaphore, #tpu.memory_space<semaphore_mem>>
        %dma_start3A_81 = arith.constant 0 : i32
        %dma_start3A_82 = tpu.memref_slice %arg8[%add3A_57, %dma_start3A_81] : memref<80x128xi32, #tpu.memory_space<vmem>> -> memref<1x128xi32, #tpu.memory_space<vmem>>
        %dma_start3A_83 = tpu.memref_squeeze %dma_start3A_82 : memref<1x128xi32, #tpu.memory_space<vmem>> -> memref<128xi32, #tpu.memory_space<vmem>>
        %dma_start3A_84 = arith.constant 0 : i32
        %dma_start3A_85 = arith.constant 0 : i32
        %dma_start3A_86 = tpu.memref_slice %arg13[%dma_start3A_84, %dma_start3A_85] : memref<10112x128xf32, #tpu.memory_space<vmem_shared>> -> memref<10112x128xf32, #tpu.memory_space<vmem_shared>>
        tpu.enqueue_indirect_dma source(%arg9 : memref<128x128xf32, #tpu.memory_space<vmem>>) target(%dma_start3A_86 : memref<10112x128xf32, #tpu.memory_space<vmem_shared>>) offsets(%dma_start3A_83 : memref<128xi32, #tpu.memory_space<vmem>>) semaphore(%run_scoped3A : memref<!tpu.dma_semaphore, #tpu.memory_space<semaphore_mem>>) {add = true}
        %dma_wait3A_87 = arith.constant 0 : i32
        %dma_wait3A_88 = tpu.memref_slice %arg8[%add3A_57, %dma_wait3A_87] : memref<80x128xi32, #tpu.memory_space<vmem>> -> memref<1x128xi32, #tpu.memory_space<vmem>>
        %dma_wait3A_89 = tpu.memref_squeeze %dma_wait3A_88 : memref<1x128xi32, #tpu.memory_space<vmem>> -> memref<128xi32, #tpu.memory_space<vmem>>
        %dma_wait3A_90 = arith.constant 0 : i32
        %dma_wait3A_91 = arith.constant 0 : i32
        %dma_wait3A_92 = tpu.memref_slice %arg13[%dma_wait3A_90, %dma_wait3A_91] : memref<10112x128xf32, #tpu.memory_space<vmem_shared>> -> memref<10112x128xf32, #tpu.memory_space<vmem_shared>>
        tpu.wait_indirect_dma semaphore(%run_scoped3A : memref<!tpu.dma_semaphore, #tpu.memory_space<semaphore_mem>>) src(%arg9 : memref<128x128xf32, #tpu.memory_space<vmem>>) dst(%dma_wait3A_92 : memref<10112x128xf32, #tpu.memory_space<vmem_shared>>)
        tpu.yield
      }) : () -> ()
      %add3A_58 = arith.constant 2 : i32
      %add3A_59 = arith.addi %mul3A_50, %add3A_58 : i32
      %lt3A = arith.constant 40 : i32
      %lt3A_60 = arith.cmpi slt, %add3A_59, %lt3A : i32
      %convert_element_type3A = arith.extui %lt3A_60 : i1 to i32
      %cond3A = arith.constant 0 : i32
      %cond3A_61 = arith.cmpi ne, %convert_element_type3A, %cond3A : i32
      scf.if %cond3A_61 {
        %add3A_81 = arith.constant 2 : i32
        %add3A_82 = arith.addi %mul3A_50, %add3A_81 : i32
        %dma_start3A_83 = arith.constant 0 : i32
        %dma_start3A_84 = tpu.memref_slice %arg7[%add3A_82, %dma_start3A_83] : memref<40x128xi32, #tpu.memory_space<vmem>> -> memref<1x128xi32, #tpu.memory_space<vmem>>
        %dma_start3A_85 = tpu.memref_squeeze %dma_start3A_84 : memref<1x128xi32, #tpu.memory_space<vmem>> -> memref<128xi32, #tpu.memory_space<vmem>>
        %dma_start3A_86 = arith.constant 0 : i32
        %dma_start3A_87 = arith.constant 0 : i32
        %dma_start3A_88 = tpu.memref_slice %arg2[%dma_start3A_86, %dma_start3A_87] : memref<10000x128xf32, #tpu.memory_space<hbm>> -> memref<10000x128xf32, #tpu.memory_space<hbm>>
        tpu.enqueue_indirect_dma source(%dma_start3A_88 : memref<10000x128xf32, #tpu.memory_space<hbm>>) target(%arg9 : memref<128x128xf32, #tpu.memory_space<vmem>>) offsets(%dma_start3A_85 : memref<128xi32, #tpu.memory_space<vmem>>) semaphore(%arg11 : memref<!tpu.dma_semaphore, #tpu.memory_space<semaphore_mem>>)
      } else {
      }
      %add3A_62 = arith.constant 1 : i32
      %add3A_63 = arith.addi %mul3A_50, %add3A_62 : i32
      %dma_wait3A_64 = arith.constant 0 : i32
      %dma_wait3A_65 = tpu.memref_slice %arg7[%add3A_63, %dma_wait3A_64] : memref<40x128xi32, #tpu.memory_space<vmem>> -> memref<1x128xi32, #tpu.memory_space<vmem>>
      %dma_wait3A_66 = tpu.memref_squeeze %dma_wait3A_65 : memref<1x128xi32, #tpu.memory_space<vmem>> -> memref<128xi32, #tpu.memory_space<vmem>>
      %dma_wait3A_67 = arith.constant 0 : i32
      %dma_wait3A_68 = arith.constant 0 : i32
      %dma_wait3A_69 = tpu.memref_slice %arg2[%dma_wait3A_67, %dma_wait3A_68] : memref<10000x128xf32, #tpu.memory_space<hbm>> -> memref<10000x128xf32, #tpu.memory_space<hbm>>
      tpu.wait_indirect_dma semaphore(%arg12 : memref<!tpu.dma_semaphore, #tpu.memory_space<semaphore_mem>>) src(%dma_wait3A_69 : memref<10000x128xf32, #tpu.memory_space<hbm>>) dst(%arg10 : memref<128x128xf32, #tpu.memory_space<vmem>>)
      %add3A_70 = arith.constant 40 : i32
      %add3A_71 = arith.addi %add3A_70, %mul3A_50 : i32
      %add3A_72 = arith.constant 1 : i32
      %add3A_73 = arith.addi %add3A_71, %add3A_72 : i32
      "tpu.region"() ({
        %run_scoped3A = tpu.sem_alloc : memref<!tpu.dma_semaphore, #tpu.memory_space<semaphore_mem>>
        %dma_start3A_81 = arith.constant 0 : i32
        %dma_start3A_82 = tpu.memref_slice %arg8[%add3A_73, %dma_start3A_81] : memref<80x128xi32, #tpu.memory_space<vmem>> -> memref<1x128xi32, #tpu.memory_space<vmem>>
        %dma_start3A_83 = tpu.memref_squeeze %dma_start3A_82 : memref<1x128xi32, #tpu.memory_space<vmem>> -> memref<128xi32, #tpu.memory_space<vmem>>
        %dma_start3A_84 = arith.constant 0 : i32
        %dma_start3A_85 = arith.constant 0 : i32
        %dma_start3A_86 = tpu.memref_slice %arg13[%dma_start3A_84, %dma_start3A_85] : memref<10112x128xf32, #tpu.memory_space<vmem_shared>> -> memref<10112x128xf32, #tpu.memory_space<vmem_shared>>
        tpu.enqueue_indirect_dma source(%arg10 : memref<128x128xf32, #tpu.memory_space<vmem>>) target(%dma_start3A_86 : memref<10112x128xf32, #tpu.memory_space<vmem_shared>>) offsets(%dma_start3A_83 : memref<128xi32, #tpu.memory_space<vmem>>) semaphore(%run_scoped3A : memref<!tpu.dma_semaphore, #tpu.memory_space<semaphore_mem>>) {add = true}
        %dma_wait3A_87 = arith.constant 0 : i32
        %dma_wait3A_88 = tpu.memref_slice %arg8[%add3A_73, %dma_wait3A_87] : memref<80x128xi32, #tpu.memory_space<vmem>> -> memref<1x128xi32, #tpu.memory_space<vmem>>
        %dma_wait3A_89 = tpu.memref_squeeze %dma_wait3A_88 : memref<1x128xi32, #tpu.memory_space<vmem>> -> memref<128xi32, #tpu.memory_space<vmem>>
        %dma_wait3A_90 = arith.constant 0 : i32
        %dma_wait3A_91 = arith.constant 0 : i32
        %dma_wait3A_92 = tpu.memref_slice %arg13[%dma_wait3A_90, %dma_wait3A_91] : memref<10112x128xf32, #tpu.memory_space<vmem_shared>> -> memref<10112x128xf32, #tpu.memory_space<vmem_shared>>
        tpu.wait_indirect_dma semaphore(%run_scoped3A : memref<!tpu.dma_semaphore, #tpu.memory_space<semaphore_mem>>) src(%arg10 : memref<128x128xf32, #tpu.memory_space<vmem>>) dst(%dma_wait3A_92 : memref<10112x128xf32, #tpu.memory_space<vmem_shared>>)
        tpu.yield
      }) : () -> ()
      %add3A_74 = arith.constant 3 : i32
      %add3A_75 = arith.addi %mul3A_50, %add3A_74 : i32
      %lt3A_76 = arith.constant 40 : i32
      %lt3A_77 = arith.cmpi slt, %add3A_75, %lt3A_76 : i32
      %convert_element_type3A_78 = arith.extui %lt3A_77 : i1 to i32
      %cond3A_79 = arith.constant 0 : i32
      %cond3A_80 = arith.cmpi ne, %convert_element_type3A_78, %cond3A_79 : i32
      scf.if %cond3A_80 {
        %add3A_81 = arith.constant 3 : i32
        %add3A_82 = arith.addi %mul3A_50, %add3A_81 : i32
        %dma_start3A_83 = arith.constant 0 : i32
        %dma_start3A_84 = tpu.memref_slice %arg7[%add3A_82, %dma_start3A_83] : memref<40x128xi32, #tpu.memory_space<vmem>> -> memref<1x128xi32, #tpu.memory_space<vmem>>
        %dma_start3A_85 = tpu.memref_squeeze %dma_start3A_84 : memref<1x128xi32, #tpu.memory_space<vmem>> -> memref<128xi32, #tpu.memory_space<vmem>>
        %dma_start3A_86 = arith.constant 0 : i32
        %dma_start3A_87 = arith.constant 0 : i32
        %dma_start3A_88 = tpu.memref_slice %arg2[%dma_start3A_86, %dma_start3A_87] : memref<10000x128xf32, #tpu.memory_space<hbm>> -> memref<10000x128xf32, #tpu.memory_space<hbm>>
        tpu.enqueue_indirect_dma source(%dma_start3A_88 : memref<10000x128xf32, #tpu.memory_space<hbm>>) target(%arg10 : memref<128x128xf32, #tpu.memory_space<vmem>>) offsets(%dma_start3A_85 : memref<128xi32, #tpu.memory_space<vmem>>) semaphore(%arg12 : memref<!tpu.dma_semaphore, #tpu.memory_space<semaphore_mem>>)
      } else {
      }
    }
    %scan3A_42 = arith.constant 20 : i32
    %barrier3A_43 = arith.constant 0 : index
    tpu.barrier barrier_id(%barrier3A_43)
    %mul3A_44 = arith.constant 632 : i32
    %mul3A_45 = arith.muli %arg1, %mul3A_44 : i32
    %mul3A_46 = arith.constant 632 : i32
    %mul3A_47 = arith.muli %arg1, %mul3A_46 : i32
    "tpu.region"() ({
      %run_scoped3A = tpu.sem_alloc : memref<!tpu.dma_semaphore, #tpu.memory_space<semaphore_mem>>
      %dma_start3A_48 = arith.constant 0 : i32
      %dma_start3A_49 = tpu.memref_slice %arg6[%arg0, %mul3A_47, %dma_start3A_48] : memref<2x10112x128xf32, #tpu.memory_space<hbm>> -> memref<1x632x128xf32, #tpu.memory_space<hbm>>
      %dma_start3A_50 = tpu.memref_squeeze %dma_start3A_49 : memref<1x632x128xf32, #tpu.memory_space<hbm>> -> memref<632x128xf32, #tpu.memory_space<hbm>>
      %dma_start3A_51 = arith.constant 0 : i32
      %dma_start3A_52 = tpu.memref_slice %arg13[%mul3A_45, %dma_start3A_51] : memref<10112x128xf32, #tpu.memory_space<vmem_shared>> -> memref<632x128xf32, #tpu.memory_space<vmem_shared>>
      tpu.enqueue_dma source(%dma_start3A_52 : memref<632x128xf32, #tpu.memory_space<vmem_shared>>) target(%dma_start3A_50 : memref<632x128xf32, #tpu.memory_space<hbm>>) target_semaphore(%run_scoped3A : memref<!tpu.dma_semaphore, #tpu.memory_space<semaphore_mem>>)
      %dma_wait3A = arith.constant 0 : i32
      %dma_wait3A_53 = tpu.memref_slice %arg6[%arg0, %mul3A_47, %dma_wait3A] : memref<2x10112x128xf32, #tpu.memory_space<hbm>> -> memref<1x632x128xf32, #tpu.memory_space<hbm>>
      %dma_wait3A_54 = tpu.memref_squeeze %dma_wait3A_53 : memref<1x632x128xf32, #tpu.memory_space<hbm>> -> memref<632x128xf32, #tpu.memory_space<hbm>>
      %dma_wait3A_55 = arith.constant 0 : i32
      %dma_wait3A_56 = tpu.memref_slice %arg13[%mul3A_45, %dma_wait3A_55] : memref<10112x128xf32, #tpu.memory_space<vmem_shared>> -> memref<632x128xf32, #tpu.memory_space<vmem_shared>>
      tpu.wait_dma2 semaphore(%run_scoped3A : memref<!tpu.dma_semaphore, #tpu.memory_space<semaphore_mem>>) src(%dma_wait3A_56 : memref<632x128xf32, #tpu.memory_space<vmem_shared>>) dst(%dma_wait3A_54 : memref<632x128xf32, #tpu.memory_space<hbm>>)
      tpu.yield
    }) : () -> ()
    return
  }
}

module attributes {stable_mosaic.version = 14 : i64} {
  func.func @_layer_body(%arg0: i32, %arg1: memref<2x1000x128xf32, #tpu.memory_space<vmem>>, %arg2: memref<1000x128xf32, #tpu.memory_space<vmem>>, %arg3: memref<1000x1xf32, #tpu.memory_space<vmem>>, %arg4: memref<128x128xf32, #tpu.memory_space<vmem>>, %arg5: memref<1000x128xf32, #tpu.memory_space<vmem>>) attributes {dimension_semantics = [#tpu.dimension_semantics<arbitrary>], iteration_bounds = array<i64: 10>, scalar_prefetch = 0 : i64, scratch_operands = 0 : i64, tpu.core_type = #tpu.core_type<tc>, window_params = [{transform_indices = @transform_0, window_bounds = array<i64: 2, 1000, 128>}, {transform_indices = @transform_1, window_bounds = array<i64: 1000, 128>}, {transform_indices = @transform_2, window_bounds = array<i64: 1000, 1>}, {pipeline_mode = #tpu.pipeline_mode<synchronous>, transform_indices = @transform_3, window_bounds = array<i64: 128, 128>}, {transform_indices = @transform_4, window_bounds = array<i64: 1000, 128>}]} {
    %get3A = arith.constant 0 : index
    %get3A_0 = arith.constant 0 : index
    %get3A_1 = arith.constant 0 : index
    %get3A_2 = vector.load %arg1[%get3A, %get3A_0, %get3A_1] : memref<2x1000x128xf32, #tpu.memory_space<vmem>>, vector<1x1000x128xf32>
    %get3A_3 = vector.shape_cast %get3A_2 : vector<1x1000x128xf32> to vector<1000x128xf32>
    %get3A_4 = arith.constant 1 : index
    %get3A_5 = arith.constant 0 : index
    %get3A_6 = arith.constant 0 : index
    %get3A_7 = vector.load %arg1[%get3A_4, %get3A_5, %get3A_6] : memref<2x1000x128xf32, #tpu.memory_space<vmem>>, vector<1x1000x128xf32>
    %get3A_8 = vector.shape_cast %get3A_7 : vector<1x1000x128xf32> to vector<1000x128xf32>
    %add3A = arith.addf %get3A_3, %get3A_8 : vector<1000x128xf32>
    %get3A_9 = arith.constant 0 : index
    %get3A_10 = arith.constant 0 : index
    %get3A_11 = vector.load %arg2[%get3A_9, %get3A_10] : memref<1000x128xf32, #tpu.memory_space<vmem>>, vector<1000x128xf32>
    %add3A_12 = arith.addf %add3A, %get3A_11 : vector<1000x128xf32>
    %get3A_13 = arith.constant 0 : index
    %get3A_14 = arith.constant 0 : index
    %get3A_15 = vector.load %arg4[%get3A_13, %get3A_14] : memref<128x128xf32, #tpu.memory_space<vmem>>, vector<128x128xf32>
    %dot_general3A = arith.constant dense<0.000000e+00> : vector<1000x128xf32>
    %dot_general3A_16 = tpu.matmul %add3A_12, %get3A_15, %dot_general3A {dimension_numbers = #tpu.dot_dimension_numbers<[1], [1], [0], [0], [0, 0, 1, 0], [], []>, transpose_lhs_hint = false} : vector<1000x128xf32>, vector<128x128xf32>, vector<1000x128xf32> -> vector<1000x128xf32>
    %get3A_17 = arith.constant 0 : index
    %get3A_18 = arith.constant 0 : index
    %get3A_19 = vector.load %arg3[%get3A_17, %get3A_18] : memref<1000x1xf32, #tpu.memory_space<vmem>>, vector<1000x1xf32>
    %mul3A = arith.mulf %get3A_19, %get3A_19 : vector<1000x1xf32>
    %max3A = arith.constant 0.000000e+00 : f32
    %max3A_20 = vector.broadcast %max3A : f32 to vector<1000x128xf32>
    %max3A_21 = arith.maximumf %dot_general3A_16, %max3A_20 : vector<1000x128xf32>
    %mul3A_22 = vector.broadcast %mul3A : vector<1000x1xf32> to vector<1000x128xf32>
    %mul3A_23 = arith.mulf %mul3A_22, %max3A_21 : vector<1000x128xf32>
    %swap3A = arith.constant 0 : index
    %swap3A_24 = arith.constant 0 : index
    %swap3A_25 = vector.load %arg5[%swap3A, %swap3A_24] : memref<1000x128xf32, #tpu.memory_space<vmem>>, vector<1000x128xf32>
    tpu.vector_store %arg5[%swap3A, %swap3A_24], %mul3A_23 {strides = array<i32>} : memref<1000x128xf32, #tpu.memory_space<vmem>>, vector<1000x128xf32>,
    return
  }
  func.func @transform_0(%arg0: i32) -> (i32, i32, i32) {
    %c0_i32 = arith.constant 0 : i32
    %c0_i32_0 = arith.constant 0 : i32
    %c0_i32_1 = arith.constant 0 : i32
    return %c0_i32, %arg0, %c0_i32_0 : i32, i32, i32
  }
  func.func @transform_1(%arg0: i32) -> (i32, i32) {
    %c0_i32 = arith.constant 0 : i32
    %c0_i32_0 = arith.constant 0 : i32
    return %arg0, %c0_i32 : i32, i32
  }
  func.func @transform_2(%arg0: i32) -> (i32, i32) {
    %c0_i32 = arith.constant 0 : i32
    %c0_i32_0 = arith.constant 0 : i32
    return %arg0, %c0_i32 : i32, i32
  }
  func.func @transform_3(%arg0: i32) -> (i32, i32) {
    %c0_i32 = arith.constant 0 : i32
    %c0_i32_0 = arith.constant 0 : i32
    %c0_i32_1 = arith.constant 0 : i32
    return %c0_i32, %c0_i32_0 : i32, i32
  }
  func.func @transform_4(%arg0: i32) -> (i32, i32) {
    %c0_i32 = arith.constant 0 : i32
    %c0_i32_0 = arith.constant 0 : i32
    return %arg0, %c0_i32 : i32, i32
  }
}

module attributes {stable_mosaic.version = 14 : i64} {
  func.func @_prep_body(%arg0: i32, %arg1: memref<2x1000x128xf32, #tpu.memory_space<vmem>>, %arg2: memref<1000x128xf32, #tpu.memory_space<vmem>>, %arg3: memref<1000x1xf32, #tpu.memory_space<vmem>>, %arg4: memref<1000x128xf32, #tpu.memory_space<vmem>>) attributes {dimension_semantics = [#tpu.dimension_semantics<arbitrary>], iteration_bounds = array<i64: 10>, scalar_prefetch = 0 : i64, scratch_operands = 0 : i64, tpu.core_type = #tpu.core_type<tc>, window_params = [{transform_indices = @transform_0, window_bounds = array<i64: 2, 1000, 128>}, {transform_indices = @transform_1, window_bounds = array<i64: 1000, 128>}, {transform_indices = @transform_2, window_bounds = array<i64: 1000, 1>}, {transform_indices = @transform_3, window_bounds = array<i64: 1000, 128>}]} {
    %get3A = arith.constant 0 : index
    %get3A_0 = arith.constant 0 : index
    %get3A_1 = arith.constant 0 : index
    %get3A_2 = vector.load %arg1[%get3A, %get3A_0, %get3A_1] : memref<2x1000x128xf32, #tpu.memory_space<vmem>>, vector<1x1000x1xf32>
    %get3A_3 = vector.shape_cast %get3A_2 : vector<1x1000x1xf32> to vector<1000x1xf32>
    %get3A_4 = arith.constant 1 : index
    %get3A_5 = arith.constant 0 : index
    %get3A_6 = arith.constant 0 : index
    %get3A_7 = vector.load %arg1[%get3A_4, %get3A_5, %get3A_6] : memref<2x1000x128xf32, #tpu.memory_space<vmem>>, vector<1x1000x1xf32>
    %get3A_8 = vector.shape_cast %get3A_7 : vector<1x1000x1xf32> to vector<1000x1xf32>
    %add3A = arith.addf %get3A_3, %get3A_8 : vector<1000x1xf32>
    %add3A_9 = arith.constant 1.000000e+00 : f32
    %add3A_10 = vector.broadcast %add3A_9 : f32 to vector<1000x1xf32>
    %add3A_11 = arith.addf %add3A, %add3A_10 : vector<1000x1xf32>
    %max3A = arith.constant 1.000000e+00 : f32
    %max3A_12 = vector.broadcast %max3A : f32 to vector<1000x1xf32>
    %max3A_13 = arith.maximumf %add3A_11, %max3A_12 : vector<1000x1xf32>
    %rsqrt3A = math.rsqrt %max3A_13 : vector<1000x1xf32>
    %swap3A = arith.constant 0 : index
    %swap3A_14 = arith.constant 0 : index
    %swap3A_15 = vector.load %arg3[%swap3A, %swap3A_14] : memref<1000x1xf32, #tpu.memory_space<vmem>>, vector<1000x1xf32>
    tpu.vector_store %arg3[%swap3A, %swap3A_14], %rsqrt3A {strides = array<i32>} : memref<1000x1xf32, #tpu.memory_space<vmem>>, vector<1000x1xf32>,
    %get3A_16 = arith.constant 0 : index
    %get3A_17 = arith.constant 0 : index
    %get3A_18 = vector.load %arg2[%get3A_16, %get3A_17] : memref<1000x128xf32, #tpu.memory_space<vmem>>, vector<1000x128xf32>
    %mul3A = vector.broadcast %rsqrt3A : vector<1000x1xf32> to vector<1000x128xf32>
    %mul3A_19 = arith.mulf %get3A_18, %mul3A : vector<1000x128xf32>
    %swap3A_20 = arith.constant 0 : index
    %swap3A_21 = arith.constant 0 : index
    %swap3A_22 = vector.load %arg4[%swap3A_20, %swap3A_21] : memref<1000x128xf32, #tpu.memory_space<vmem>>, vector<1000x128xf32>
    tpu.vector_store %arg4[%swap3A_20, %swap3A_21], %mul3A_19 {strides = array<i32>} : memref<1000x128xf32, #tpu.memory_space<vmem>>, vector<1000x128xf32>,
    return
  }
  func.func @transform_0(%arg0: i32) -> (i32, i32, i32) {
    %c0_i32 = arith.constant 0 : i32
    %c0_i32_0 = arith.constant 0 : i32
    %c0_i32_1 = arith.constant 0 : i32
    return %c0_i32, %arg0, %c0_i32_0 : i32, i32, i32
  }
  func.func @transform_1(%arg0: i32) -> (i32, i32) {
    %c0_i32 = arith.constant 0 : i32
    %c0_i32_0 = arith.constant 0 : i32
    return %arg0, %c0_i32 : i32, i32
  }
  func.func @transform_2(%arg0: i32) -> (i32, i32) {
    %c0_i32 = arith.constant 0 : i32
    %c0_i32_0 = arith.constant 0 : i32
    return %arg0, %c0_i32 : i32, i32
  }
  func.func @transform_3(%arg0: i32) -> (i32, i32) {
    %c0_i32 = arith.constant 0 : i32
    %c0_i32_0 = arith.constant 0 : i32
    return %arg0, %c0_i32 : i32, i32
  }
}

module attributes {stable_mosaic.version = 14 : i64} {
  func.func @_layer_body(%arg0: i32, %arg1: memref<2x1000x128xf32, #tpu.memory_space<vmem>>, %arg2: memref<1000x128xf32, #tpu.memory_space<vmem>>, %arg3: memref<1000x1xf32, #tpu.memory_space<vmem>>, %arg4: memref<128x128xf32, #tpu.memory_space<vmem>>, %arg5: memref<1000x128xf32, #tpu.memory_space<vmem>>) attributes {dimension_semantics = [#tpu.dimension_semantics<arbitrary>], iteration_bounds = array<i64: 10>, scalar_prefetch = 0 : i64, scratch_operands = 0 : i64, tpu.core_type = #tpu.core_type<tc>, window_params = [{transform_indices = @transform_0, window_bounds = array<i64: 2, 1000, 128>}, {transform_indices = @transform_1, window_bounds = array<i64: 1000, 128>}, {transform_indices = @transform_2, window_bounds = array<i64: 1000, 1>}, {pipeline_mode = #tpu.pipeline_mode<synchronous>, transform_indices = @transform_3, window_bounds = array<i64: 128, 128>}, {transform_indices = @transform_4, window_bounds = array<i64: 1000, 128>}]} {
    %get3A = arith.constant 0 : index
    %get3A_0 = arith.constant 0 : index
    %get3A_1 = arith.constant 0 : index
    %get3A_2 = vector.load %arg1[%get3A, %get3A_0, %get3A_1] : memref<2x1000x128xf32, #tpu.memory_space<vmem>>, vector<1x1000x128xf32>
    %get3A_3 = vector.shape_cast %get3A_2 : vector<1x1000x128xf32> to vector<1000x128xf32>
    %get3A_4 = arith.constant 1 : index
    %get3A_5 = arith.constant 0 : index
    %get3A_6 = arith.constant 0 : index
    %get3A_7 = vector.load %arg1[%get3A_4, %get3A_5, %get3A_6] : memref<2x1000x128xf32, #tpu.memory_space<vmem>>, vector<1x1000x128xf32>
    %get3A_8 = vector.shape_cast %get3A_7 : vector<1x1000x128xf32> to vector<1000x128xf32>
    %add3A = arith.addf %get3A_3, %get3A_8 : vector<1000x128xf32>
    %get3A_9 = arith.constant 0 : index
    %get3A_10 = arith.constant 0 : index
    %get3A_11 = vector.load %arg2[%get3A_9, %get3A_10] : memref<1000x128xf32, #tpu.memory_space<vmem>>, vector<1000x128xf32>
    %add3A_12 = arith.addf %add3A, %get3A_11 : vector<1000x128xf32>
    %get3A_13 = arith.constant 0 : index
    %get3A_14 = arith.constant 0 : index
    %get3A_15 = vector.load %arg4[%get3A_13, %get3A_14] : memref<128x128xf32, #tpu.memory_space<vmem>>, vector<128x128xf32>
    %dot_general3A = arith.constant dense<0.000000e+00> : vector<1000x128xf32>
    %dot_general3A_16 = tpu.matmul %add3A_12, %get3A_15, %dot_general3A {dimension_numbers = #tpu.dot_dimension_numbers<[1], [1], [0], [0], [0, 0, 1, 0], [], []>, transpose_lhs_hint = false} : vector<1000x128xf32>, vector<128x128xf32>, vector<1000x128xf32> -> vector<1000x128xf32>
    %get3A_17 = arith.constant 0 : index
    %get3A_18 = arith.constant 0 : index
    %get3A_19 = vector.load %arg3[%get3A_17, %get3A_18] : memref<1000x1xf32, #tpu.memory_space<vmem>>, vector<1000x1xf32>
    %max3A = arith.constant 0.000000e+00 : f32
    %max3A_20 = vector.broadcast %max3A : f32 to vector<1000x128xf32>
    %max3A_21 = arith.maximumf %dot_general3A_16, %max3A_20 : vector<1000x128xf32>
    %mul3A = vector.broadcast %get3A_19 : vector<1000x1xf32> to vector<1000x128xf32>
    %mul3A_22 = arith.mulf %mul3A, %max3A_21 : vector<1000x128xf32>
    %swap3A = arith.constant 0 : index
    %swap3A_23 = arith.constant 0 : index
    %swap3A_24 = vector.load %arg5[%swap3A, %swap3A_23] : memref<1000x128xf32, #tpu.memory_space<vmem>>, vector<1000x128xf32>
    tpu.vector_store %arg5[%swap3A, %swap3A_23], %mul3A_22 {strides = array<i32>} : memref<1000x128xf32, #tpu.memory_space<vmem>>, vector<1000x128xf32>,
    return
  }
  func.func @transform_0(%arg0: i32) -> (i32, i32, i32) {
    %c0_i32 = arith.constant 0 : i32
    %c0_i32_0 = arith.constant 0 : i32
    %c0_i32_1 = arith.constant 0 : i32
    return %c0_i32, %arg0, %c0_i32_0 : i32, i32, i32
  }
  func.func @transform_1(%arg0: i32) -> (i32, i32) {
    %c0_i32 = arith.constant 0 : i32
    %c0_i32_0 = arith.constant 0 : i32
    return %arg0, %c0_i32 : i32, i32
  }
  func.func @transform_2(%arg0: i32) -> (i32, i32) {
    %c0_i32 = arith.constant 0 : i32
    %c0_i32_0 = arith.constant 0 : i32
    return %arg0, %c0_i32 : i32, i32
  }
  func.func @transform_3(%arg0: i32) -> (i32, i32) {
    %c0_i32 = arith.constant 0 : i32
    %c0_i32_0 = arith.constant 0 : i32
    %c0_i32_1 = arith.constant 0 : i32
    return %c0_i32, %c0_i32_0 : i32, i32
  }
  func.func @transform_4(%arg0: i32) -> (i32, i32) {
    %c0_i32 = arith.constant 0 : i32
    %c0_i32_0 = arith.constant 0 : i32
    return %arg0, %c0_i32 : i32, i32
  }
}

</mosaic_0001>

<sc_bundles>
// kernel: kernel.11.cloned.1.call-start
scs
__scs_entry_jumppad:
0x0: {  	(pc) =	sbr.rel $0x88, $3  }
0x1: {  	(tag) =	ssettag $0x0;
	lr =	simm.s32 $0x1  }
0x2: {  	[smem:$0x3F9D] =	sst lr;
	_ =	strace $0xD0000000  }
0x3: {  	_ = 	snop  }
0x4: {  	_ = 	snop  }
0x5: {  	_ = 	snop  }
0x6: {  	_ = 	snop  }
0x7: {  	_ = 	snop  }
__scs_overlays_trampoline_lowered:
0x8: {  	[smem:$0x3FAC] =	sst s0  }
0x9: {  	[smem:$0x3FAD] =	sst s1  }
0xa: {  	[smem:$0x3FAE] =	sst s2  }
0xb: {  	[smem:$0x3FAF] =	sst s3  }
0xc: {  	[smem:$0x3FB0] =	sst s4  }
0xd: {  	[smem:$0x3FB1] =	sst s5  }
0xe: {  	[smem:$0x3FB2] =	sst s6  }
0xf: {  	[smem:$0x3FB3] =	sst s7  }
0x10: {  	[smem:$0x3FB4] =	sst s8  }
0x11: {  	[smem:$0x3FB5] =	sst s9;
	s0 =	simm.s32 @!p0 $0x0  }
0x12: {  	s1 =	sld [smem:$0x3F9B];
	s0 =	simm.s32 @p0 $0x1  }
0x13: {  	[smem:$0x3FB6] =	sst s0;
	s0 =	simm.s32 @!p1 $0x0  }
0x14: {  	s2 =	sld [smem:$0x3F9A];
	s0 =	simm.s32 @p1 $0x1  }
0x15: {  	[smem:$0x3FB7] =	sst s0;
	s0 =	simm.s32 @!p2 $0x0  }
0x16: {  	s3 =	sld [smem:$0x3FDB];
	s0 =	simm.s32 @p2 $0x1  }
0x17: {  	s4 =	simm.s32 $0x1BF5;
	[smem:$0x3FB9] =	sst s0  }
0x18: {  	s0 =	sld [smem:$0x3F9C];
	_ =	swait.ge [sflag:s4], $0x0  }
0x19: {  	s7 =	sld [smem:$0x3F9D]  }
0x1a: {  	s8 =	sadd.s32 $0xFFFFE003, lr  }
0x1b: {  	s9 =	sadd.s32 $0xFFFFFEF7, lr;
	s5 =	simm.s32 $0xFFFFFFFF;
	p2 =	slt.u32 s8, $0xFFFFF086  }
0x1c: {  	p1 =	slt.u32 s9, $0xF7A;
	s5 =	simm.s32 @!p2 $0x0  }
0x1d: {  	s5 =	simm.s32 @p1 $0x1;
	p0 =	seq.s32 s7, s2  }
0x1e: {  	s7 =	smul.u32 @!p0 $0xF7A, s2;
	p2 =	seq.s32 @!p0 s5, $0x0  }
0x1f: {  	s9 =	smul.u32 $0xF7A, s1;
	s8 =	simm.s32 @!p0 $0x1BF5;
	p2 =	por !p2, p0  }
0x20: {  	[sflag:s8] =	ssyncset.s32 @!p0 $0xFFFFF086;
	s6 =	sadd.s32 @!p0 s3, s7;
	s7 =	simm.s32 @!p0 $0x108  }
0x21: {  	s3 =	sadd.s32 s3, s9;
	s6 =	sadd.s32 @!p0 $0x88, s6;
	s7 =	simm.s32 @p2 $0x1082  }
0x22: {  	[simem:s7], [sflag:s8] =	dma.local @!p0 [hbm:s6], $0xF7A  }
0x23: {  	s9 =	sor.u32 $0xD0000000, s2;
	s6 =	simm.s32 $0x108;
	_ =	swait.ge @!p0 [sflag:s8], $0x0  }
0x24: {  	s3 =	sadd.s32 $0x88, s3;
	s6 =	simm.s32 @!p1 $0x1082;
	[sflag:s4] =	ssyncset.s32 $0xFFFFF086  }
0x25: {  	[simem:s6], [sflag:s4] =	dma.local [hbm:s3], $0xF7A  }
0x26: {  	[smem:$0x3F9D] =	sst s1;
	(tag) =	ssettag s2;
	_ =	strace s9  }
0x27: {  	s1 =	sld [smem:$0x3FAD]  }
0x28: {  	s2 =	sld [smem:$0x3FAE]  }
0x29: {  	s4 =	sld [smem:$0x3FB0]  }
0x2a: {  	p0 =	seq.s32 s5, $0x0;
	s5 =	sld [smem:$0x3FB1]  }
0x2b: {  	s6 =	sld [smem:$0x3FB2]  }
0x2c: {  	s7 =	sld [smem:$0x3FB3]  }
0x2d: {  	s3 =	simm.s32 $0x108;
	s8 =	sld [smem:$0x3FB4]  }
0x2e: {  	s3 =	simm.s32 @!p0 $0x1082;
	s9 =	sld [smem:$0x3FB5]  }
0x2f: {  	lr =	sadd.s32 s0, s3;
	s0 =	sld [smem:$0x3FAC]  }
0x30: {  	s3 =	sld [smem:$0x3FAF]  }
0x31: {  	[smem:$0x3FB8] =	sst s10  }
0x32: {  	s10 =	sld [smem:$0x3FB6];
	_ =	sdelay $0x3  }
0x33: {  	p0 =	seq.s32 s10, $0x1;
	s10 =	sld [smem:$0x3FB8];
	_ =	sdelay $0x3  }
0x34: {  	[smem:$0x3FB8] =	sst s10  }
0x35: {  	s10 =	sld [smem:$0x3FB7];
	_ =	sdelay $0x3  }
0x36: {  	p1 =	seq.s32 s10, $0x1;
	s10 =	sld [smem:$0x3FB8];
	_ =	sdelay $0x3  }
0x37: {  	[smem:$0x3FB8] =	sst s10  }
0x38: {  	s10 =	sld [smem:$0x3FB9]  }
0x39: {  	_ = 	snop;
	(pc) =	sbr.ind lr, $3  }
0x3a: {  	_ = 	snop  }
0x3b: {  	_ = 	snop  }
0x3c: {  	p2 =	seq.s32 s10, $0x1;
	s10 =	sld [smem:$0x3FB8]  }
0x3d: {  	_ =	shalt  }
0x3e: {  	_ =	shalt  }
0x3f: {  	_ =	shalt  }
0x40: {  	_ =	shalt  }
0x41: {  	_ =	shalt  }
0x42: {  	_ =	shalt  }
0x43: {  	_ =	shalt  }
0x44: {  	_ =	shalt  }
0x45: {  	_ =	shalt  }
0x46: {  	_ =	shalt  }
0x47: {  	_ =	shalt  }
0x48: {  	_ =	shalt  }
0x49: {  	_ =	shalt  }
0x4a: {  	_ =	shalt  }
0x4b: {  	_ =	shalt  }
0x4c: {  	_ =	shalt  }
0x4d: {  	_ =	shalt  }
0x4e: {  	_ =	shalt  }
0x4f: {  	_ =	shalt  }
0x50: {  	_ =	shalt  }
0x51: {  	_ =	shalt  }
0x52: {  	_ =	shalt  }
0x53: {  	_ =	shalt  }
0x54: {  	_ =	shalt  }
0x55: {  	_ =	shalt  }
0x56: {  	_ =	shalt  }
0x57: {  	_ =	shalt  }
0x58: {  	_ =	shalt  }
0x59: {  	_ =	shalt  }
0x5a: {  	_ =	shalt  }
0x5b: {  	_ =	shalt  }
0x5c: {  	_ =	shalt  }
0x5d: {  	_ =	shalt  }
0x5e: {  	_ =	shalt  }
0x5f: {  	_ =	shalt  }
0x60: {  	_ =	shalt  }
0x61: {  	_ =	shalt  }
0x62: {  	_ =	shalt  }
0x63: {  	_ =	shalt  }
0x64: {  	_ =	shalt  }
0x65: {  	_ =	shalt  }
0x66: {  	_ =	shalt  }
0x67: {  	_ =	shalt  }
0x68: {  	_ =	shalt  }
0x69: {  	_ =	shalt  }
0x6a: {  	_ =	shalt  }
0x6b: {  	_ =	shalt  }
0x6c: {  	_ =	shalt  }
0x6d: {  	_ =	shalt  }
0x6e: {  	_ =	shalt  }
0x6f: {  	_ =	shalt  }
0x70: {  	_ =	shalt  }
0x71: {  	_ =	shalt  }
0x72: {  	_ =	shalt  }
0x73: {  	_ =	shalt  }
0x74: {  	_ =	shalt  }
0x75: {  	_ =	shalt  }
0x76: {  	_ =	shalt  }
0x77: {  	_ =	shalt  }
0x78: {  	_ =	shalt  }
0x79: {  	_ =	shalt  }
0x7a: {  	_ =	shalt  }
0x7b: {  	_ =	shalt  }
0x7c: {  	_ =	shalt  }
0x7d: {  	_ =	shalt  }
0x7e: {  	_ =	shalt  }
0x7f: {  	_ =	shalt  }
0x80: {  	_ =	shalt  }
0x81: {  	_ =	shalt  }
0x82: {  	_ =	shalt  }
0x83: {  	_ =	shalt  }
0x84: {  	_ =	shalt  }
0x85: {  	_ =	shalt  }
0x86: {  	_ =	shalt  }
0x87: {  	_ =	shalt  }
.Lfunc_end0:
.L_simem_size_0:
called_computation.1_lowered:
.L_overlay_start_0:
0x88: {  	s2 =	sld [smem:$0x3FD9]  }
0x89: {  	s3 =	sld [smem:$0x3FFE];
	_ =	sdelay $0x1  }
0x8a: {  	s1 =	srdreg.scid  }
0x8b: {  	s0 =	sand.u32 $0x1, s1  }
0x8c: {  	s17 =	sshll.u32 s0, $0xA;
	s2 =	sadd.s32 s3, s2  }
0x8d: {  	s2 =	sadd.s32 s2, s17  }
0x8e: {  	[smem:$0x3FC4] =	sst s2  }
0x8f: {  	_ = 	snop  }
0x90: {  	s2 =	sld [smem:$0x3FD0];
	(tm) =	ssettm $0x1  }
0x91: {  	s18 =	sld [smem:$0x3FFB];
	_ =	sdelay $0x3  }
0x92: {  	_ =	strace s18  }
0x93: {  	s3 =	sld [smem:$0x3FFC];
	_ =	sdelay $0x3  }
0x94: {  	_ =	strace s3  }
0x95: {  	s3 =	sld [smem:$0x3FFD];
	_ =	sdelay $0x3  }
0x96: {  	_ =	strace s3  }
0x97: {  	_ =	strace $0x8FFFFFFF  }
0x98: {  	s19 =	sld [smem:$0x3FDB];
	_ =	sdelay $0x1  }
0x99: {  	s4 =	simm.s32 $_scs_section_size  }
0x9a: {  	s5 =	simm.s32 $_size__tile_overlayer_lowered;
	s6 =	simm.s32 $_tile_overlayer_lowered  }
0x9b: {  	s22 =	simm.s32 $0x1BFF;
	s21 =	sshll.u32 s6, $0x1;
	s3 =	sadd.s32 s4, s19  }
0x9c: {  	s7 =	simm.s32 $0x0;
	s20 =	sshll.u32 s5, $0x1;
	s5 =	sadd.s32 s21, s3  }
0x9d: {  	[timem:s7], [sflag:s22] =	dma.local [hbm:s5], s20  }
0x9e: {  	_ =	swait.ge [sflag:s22], s20  }
0x9f: {  	s4 =	ssub.s32 $0x0, s20;
	[sflag:s22] =	ssyncset.done $0x0  }
0xa0: {  	[sflag:s22] =	ssyncadd.s32 s4;
	_ =	sdelay $0x1  }
0xa1: {  	s23 =	simm.s32 $0x1B8B  }
0xa2: {  	_ =	swait.ge [sflag:s23], $0x1  }
0xa3: {  	[sflag:s23] =	ssyncset.done $0x0  }
0xa4: {  	s25 =	simm.s32 $0x1B8E;
	s24 =	sld [smem:$0x3FFE];
	[sflag:s23] =	ssyncadd.s32 $0xFFFFFFFF  }
0xa5: {  	s26 =	simm.s32 $execute0_lowered;
	[smem:$0x3FD2] =	sst s25  }
0xa6: {  	s5 =	sshll.u32 s26, $0x1;
	_ =	strace $0x80000049;
	[dreg:$0x1] =	wrdreg $0xFFFFFFFF  }
0xa7: {  	s28 =	simm.s32 $_size_execute0_lowered;
	s3 =	sadd.s32 s3, s5;
	[dreg:$0x0] =	wrdreg $0x0  }
0xa8: {  	s5 =	sshll.u32 s28, $0x1;
	[dreg:$0x2] =	wrdreg s3  }
0xa9: {  	[dreg:$0x3] =	wrdreg s5  }
0xaa: {  	[dreg:$0x4] =	wrdreg $0xC0  }
0xab: {  	_ =	task [dreg:s7], $0x5FFFF  }
0xac: {  	[dreg:$0x1] =	wrdreg $0xFFFFFFFF  }
0xad: {  	[dreg:$0x0] =	wrdreg $0x60  }
0xae: {  	[dreg:$0x2] =	wrdreg s2  }
0xaf: {  	[dreg:$0x3] =	wrdreg s24  }
0xb0: {  	[dreg:$0x4] =	wrdreg $0xBC000  }
0xb1: {  	[dreg:$0x5] =	wrdreg $0x9  }
0xb2: {  	_ =	task.clear_ibuf [dreg:s7], $0x6FFFF;
	_ =	strace $0x90000049  }
0xb3: {  	s29 =	simm.s32 $0x9;
	_ =	strace $0x8000004B  }
0xb4: {  	_ =	swait.ge [sflag:s29], $0x1  }
0xb5: {  	[sflag:s29] =	ssyncadd.s32 $0xFFFFFFFF  }
0xb6: {  	_ =	strace $0x9000004B  }
0xb7: {  	_ =	sfence  }
0xb8: {  	s30 =	sld [smem:$0x0];
	_ =	sdelay $0x2  }
0xb9: {  	s31 =	sshll.u32 s1, $0xD;
	s1 =	sshrl.u32 s1, $0x2  }
0xba: {  	s3 =	sand.u32 $0x4000, s31;
	s1 =	sadd.s32 s1, s30  }
0xbb: {  	s0 =	sor.u32 s3, s0;
	s1 =	sshll.u32 s1, $0x11  }
0xbc: {  	s0 =	sor.u32 s1, s0  }
0xbd: {  	s0 =	sadd.s32 $0x8F2B, s0  }
0xbe: {  	[sflag:s0] =	ssyncadd.remote.s32 $0x1  }
0xbf: {  	_ =	sfence.sel $0xFFFF  }
0xc0: {  	[dreg:$0x0] =	wrdreg $0xFFFFFFFF;
	(pc) =	sbr.abs _section_cstart, $3  }
0xc1: {  	[dreg:$0x1] =	wrdreg $0xFFFFFFFF  }
0xc2: {  	_ =	task.clear_ibuf [dreg:s7], $0x2FFFF;
	_ =	strace $0x9FFFFFFF  }
0xc3: {  	(tm) =	ssettm $0x7FFFFFFF  }
tec
execute0_lowered:
.L_overlay_start_1:
0x0: {  	(tag) =	ssettag $0x1  }
0x1: {  	s2 =	srdreg.scid;
	s1 =	rddreg [dreg:$0x0]  }
0x2: {  	s0 =	stileid.u32;
	s6 =	rddreg [dreg:$0x1]  }
0x3: {  	s3 =	rddreg [dreg:$0x2];
	s4 =	simm.s32 $0x0;
	s14 =	simm.s32 $0x1400  }
0x4: {  	s15 =	simm.s32 $0x80;
	s16 =	simm.s32 $0x3C00;
	s17 =	simm.s32 $0x7C00  }
0x5: {  	s18 =	simm.s32 $0x1;
	s19 =	simm.s32 $0x2;
	s20 =	simm.s32 $0x2700  }
0x6: {  	s21 =	simm.s32 $0x2780;
	s22 =	simm.s32 $0x3B00;
	s23 =	simm.s32 $0x3B80  }
0x7: {  	s24 =	simm.s32 $0x0;
	s5 =	sand.u32 $0x1, s2;
	s8 =	smul.u32 $0x13C00, s0  }
0x8: {  	s25 =	sshll.u32 s0, $0x1;
	[smem:$0x7FF] =	sst s4;
	s28 =	smul.u32 $0x4F000, s0  }
0x9: {  	s31 =	sshll.u32 s0, $0x6;
	s2 =	sor.u32 s5, s25;
	s9 =	smul.u32 $0x13C000, s5  }
0xa: {  	s5 =	ssub.s32 $0x2, s5;
	s7 =	smul.u32 $0x2800, s2;
	s2 =	rddreg [dreg:$0x3]  }
0xb: {  	_ =	strace $0x8000004A;
	s26 =	sshrl.u32 s8, $0x3;
	s29 =	sshrl.u32 s5, $0x1  }
0xc: {  	s30 =	sshrl.u32 s28, $0x2;
	s8 =	sadd.s32 s8, s9;
	s12 =	ssub.s32 s5, s29  }
0xd: {  	s13 =	sadd.s32 s30, s3;
	s7 =	sshrl.u32 s7, $0x3;
	s8 =	sshrl.u32 s8, $0x3  }
0xe: {  	s10 =	sadd.s32 s7, s6;
	s7 =	sadd.s32 s26, s6;
	s11 =	sadd.s32 s8, s6  }
0xf: {  	s6 =	sor.u32 $0x1C03, s31;
	s5 =	sadd.s32 $0x2A00, s7;
	s7 =	sadd.s32 $0x79200, s10  }
0x10: {  	s8 =	sadd.s32 $0x83200, s10;
	s9 =	sadd.s32 $0x83480, s10;
	s10 =	sadd.s32 $0x2A200, s11  }
0x11: {  	s11 =	smax.u32 s12, $0x1;
	s12 =	sshrl.u32 s13, $0x3;
	s13 =	simm.s32 $0x3  }
.LBB2_1:
0x12: {  	[spmem:s12], [sflag:s6] =	dma.local [hbm:s5], $0x2780  }
0x13: {  	_ =	swait.ge [sflag:s13], $0x2780  }
0x14: {  	[sflag:s13] =	ssyncset.done $0x0  }
0x15: {  	[sflag:s13] =	ssyncadd.s32 $0xFFFFD880  }
0x16: {  	[tilespmem:s14], [sflag:$0x3] =	stream.linear.gather [hbm4b:s7+s4], $0x2800, $0x38;
	[tilespmem:$0x1F800] =	vst v63  }
0x17: {  	_ =	swait.ge [sflag:s13], $0x2800  }
0x18: {  	[sflag:s13] =	ssyncset.done $0x0  }
0x19: {  	[sflag:s13] =	ssyncadd.s32 $0xFFFFD800  }
0x1a: {  	[bflag:$0x0] =	sbarrier.arrive $0xFFFF  }
0x1b: {  	[tilespmem:s4], [sflag:$0x3] =	stream.linear.gather [hbm4b:s8+s4], $0x1400, $0x38;
	[tilespmem:$0x1F800] =	vst v63  }
0x1c: {  	_ =	swait.ge [sflag:s13], $0x1400  }
0x1d: {  	[sflag:s13] =	ssyncset.done $0x0  }
0x1e: {  	[sflag:s13] =	ssyncadd.s32 $0xFFFFEC00  }
0x1f: {  	[tilespmem:s16], [sflag:$0x1] =	stream.indirect.gather [hbm4b:s1+s15], $0x80, s4, s15, $0xb8;
	[tilespmem:$0x1F800] =	vst v63  }
0x20: {  	_ = 	snop  }
0x21: {  	[tilespmem:s17], [sflag:$0x2] =	stream.indirect.gather [hbm4b:s1+s15], $0x80, s15, s15, $0xb8;
	[tilespmem:$0x1F800] =	vst v63  }
0x22: {  	_ =	swait.ge [sflag:s18], $0x4000  }
0x23: {  	[sflag:s18] =	ssyncset.done $0x0  }
0x24: {  	s25 =	simm.s32 $0x1400;
	[sflag:s18] =	ssyncadd.s32 $0xFFFFC000  }
0x25: {  	[spmem:s3] =	stream.indirect.scatter.add.f32 [tilespmem:s16], [sflag:$0x3], $0x80, s25, s15, $0xb8;
	[tilespmem:$0x1F800] =	vst v63  }
0x26: {  	_ =	swait.ge [sflag:s13], $0x4000  }
0x27: {  	[sflag:s13] =	ssyncset.done $0x0  }
0x28: {  	s30 =	simm.s32 $0x100;
	[sflag:s13] =	ssyncadd.s32 $0xFFFFC000  }
0x29: {  	[tilespmem:s16], [sflag:$0x1] =	stream.indirect.gather [hbm4b:s1+s15], $0x80, s30, s15, $0xb8;
	[tilespmem:$0x1F800] =	vst v63  }
0x2a: {  	_ =	swait.ge [sflag:s19], $0x4000  }
0x2b: {  	[sflag:s19] =	ssyncset.done $0x0  }
0x2c: {  	s31 =	simm.s32 $0x1480;
	[sflag:s19] =	ssyncadd.s32 $0xFFFFC000  }
0x2d: {  	[spmem:s3] =	stream.indirect.scatter.add.f32 [tilespmem:s17], [sflag:$0x3], $0x80, s31, s15, $0xb8;
	[tilespmem:$0x1F800] =	vst v63  }
0x2e: {  	_ =	swait.ge [sflag:s13], $0x4000  }
0x2f: {  	[sflag:s13] =	ssyncset.done $0x0  }
0x30: {  	s26 =	simm.s32 $0x180;
	s25 =	simm.s32 $0x400;
	[sflag:s13] =	ssyncadd.s32 $0xFFFFC000  }
.LBB2_2:
0x31: {  	[tilespmem:s17], [sflag:$0x2] =	stream.indirect.gather [hbm4b:s1+s15], $0x80, s26, s15, $0xb8;
	[tilespmem:$0x1F800] =	vst v63  }
0x32: {  	s26 =	smov.u32 s25  }
0x33: {  	p0 =	sne.s32 s25, $0x4800;
	s25 =	sadd.s32 $0x400, s25;
	_ =	swait.ge [sflag:s18], $0x4000  }
0x34: {  	s26 =	sshra.s32 s26, $0x2;
	[sflag:s18] =	ssyncset.done $0x0  }
0x35: {  	s28 =	sadd.s32 $0x1400, s26;
	[sflag:s18] =	ssyncadd.s32 $0xFFFFC000  }
0x36: {  	[spmem:s3] =	stream.indirect.scatter.add.f32 [tilespmem:s16], [sflag:$0x3], $0x80, s28, s15, $0xb8;
	[tilespmem:$0x1F800] =	vst v63  }
0x37: {  	_ =	swait.ge [sflag:s13], $0x4000  }
0x38: {  	[sflag:s13] =	ssyncset.done $0x0  }
0x39: {  	s28 =	sadd.s32 $0x100, s26;
	[sflag:s13] =	ssyncadd.s32 $0xFFFFC000  }
0x3a: {  	[tilespmem:s16], [sflag:$0x1] =	stream.indirect.gather [hbm4b:s1+s15], $0x80, s28, s15, $0xb8;
	[tilespmem:$0x1F800] =	vst v63  }
0x3b: {  	_ =	swait.ge [sflag:s19], $0x4000  }
0x3c: {  	[sflag:s19] =	ssyncset.done $0x0  }
.Ltmp0:
0x3d: {  	s28 =	sadd.s32 $0x1480, s26;
	[sflag:s19] =	ssyncadd.s32 $0xFFFFC000;
	(pc) =	sbr.rel @p0 .LBB2_2-.Ltmp0, $4  }
0x3e: {  	[spmem:s3] =	stream.indirect.scatter.add.f32 [tilespmem:s17], [sflag:$0x3], $0x80, s28, s15, $0xb8;
	[tilespmem:$0x1F800] =	vst v63  }
0x3f: {  	_ =	swait.ge [sflag:s13], $0x4000  }
0x40: {  	[sflag:s13] =	ssyncset.done $0x0  }
0x41: {  	s26 =	sadd.s32 $0x180, s26;
	[sflag:s13] =	ssyncadd.s32 $0xFFFFC000  }
0x42: {  	[tilespmem:s17], [sflag:$0x2] =	stream.indirect.gather [hbm4b:s1+s15], $0x80, s26, s15, $0xb8;
	[tilespmem:$0x1F800] =	vst v63  }
0x43: {  	_ =	swait.ge [sflag:s18], $0x4000  }
0x44: {  	[sflag:s18] =	ssyncset.done $0x0  }
0x45: {  	[sflag:s18] =	ssyncadd.s32 $0xFFFFC000  }
0x46: {  	[spmem:s3] =	stream.indirect.scatter.add.f32 [tilespmem:s16], [sflag:$0x3], $0x80, s20, s15, $0xb8;
	[tilespmem:$0x1F800] =	vst v63  }
0x47: {  	_ =	swait.ge [sflag:s13], $0x4000  }
0x48: {  	[sflag:s13] =	ssyncset.done $0x0  }
0x49: {  	[sflag:s13] =	ssyncadd.s32 $0xFFFFC000  }
0x4a: {  	_ =	swait.ge [sflag:s19], $0x4000  }
0x4b: {  	[sflag:s19] =	ssyncset.done $0x0  }
0x4c: {  	[sflag:s19] =	ssyncadd.s32 $0xFFFFC000  }
0x4d: {  	[spmem:s3] =	stream.indirect.scatter.add.f32 [tilespmem:s17], [sflag:$0x3], $0x80, s21, s15, $0xb8;
	[tilespmem:$0x1F800] =	vst v63  }
0x4e: {  	_ =	swait.ge [sflag:s13], $0x4000  }
0x4f: {  	[sflag:s13] =	ssyncset.done $0x0  }
0x50: {  	[sflag:s13] =	ssyncadd.s32 $0xFFFFC000  }
0x51: {  	[tilespmem:s4], [sflag:$0x3] =	stream.linear.gather [hbm4b:s9+s4], $0x1400, $0x38;
	[tilespmem:$0x1F800] =	vst v63  }
0x52: {  	_ =	swait.ge [sflag:s13], $0x1400  }
0x53: {  	[sflag:s13] =	ssyncset.done $0x0  }
0x54: {  	[sflag:s13] =	ssyncadd.s32 $0xFFFFEC00  }
0x55: {  	[tilespmem:s16], [sflag:$0x1] =	stream.indirect.gather [hbm4b:s1+s15], $0x80, s4, s15, $0xb8;
	[tilespmem:$0x1F800] =	vst v63  }
0x56: {  	_ = 	snop  }
0x57: {  	[tilespmem:s17], [sflag:$0x2] =	stream.indirect.gather [hbm4b:s1+s15], $0x80, s15, s15, $0xb8;
	[tilespmem:$0x1F800] =	vst v63  }
0x58: {  	_ =	swait.ge [sflag:s18], $0x4000  }
0x59: {  	[sflag:s18] =	ssyncset.done $0x0  }
0x5a: {  	s25 =	simm.s32 $0x2800;
	[sflag:s18] =	ssyncadd.s32 $0xFFFFC000  }
0x5b: {  	[spmem:s3] =	stream.indirect.scatter.add.f32 [tilespmem:s16], [sflag:$0x3], $0x80, s25, s15, $0xb8;
	[tilespmem:$0x1F800] =	vst v63  }
0x5c: {  	_ =	swait.ge [sflag:s13], $0x4000  }
0x5d: {  	[sflag:s13] =	ssyncset.done $0x0  }
0x5e: {  	s30 =	simm.s32 $0x100;
	[sflag:s13] =	ssyncadd.s32 $0xFFFFC000  }
0x5f: {  	[tilespmem:s16], [sflag:$0x1] =	stream.indirect.gather [hbm4b:s1+s15], $0x80, s30, s15, $0xb8;
	[tilespmem:$0x1F800] =	vst v63  }
0x60: {  	_ =	swait.ge [sflag:s19], $0x4000  }
0x61: {  	[sflag:s19] =	ssyncset.done $0x0  }
0x62: {  	s31 =	simm.s32 $0x2880;
	[sflag:s19] =	ssyncadd.s32 $0xFFFFC000  }
0x63: {  	[spmem:s3] =	stream.indirect.scatter.add.f32 [tilespmem:s17], [sflag:$0x3], $0x80, s31, s15, $0xb8;
	[tilespmem:$0x1F800] =	vst v63  }
0x64: {  	_ =	swait.ge [sflag:s13], $0x4000  }
0x65: {  	[sflag:s13] =	ssyncset.done $0x0  }
0x66: {  	s26 =	simm.s32 $0x180;
	s25 =	simm.s32 $0xFFFFB800;
	[sflag:s13] =	ssyncadd.s32 $0xFFFFC000  }
.LBB2_4:
0x67: {  	[tilespmem:s17], [sflag:$0x2] =	stream.indirect.gather [hbm4b:s1+s15], $0x80, s26, s15, $0xb8;
	[tilespmem:$0x1F800] =	vst v63  }
0x68: {  	s26 =	smov.u32 s25  }
0x69: {  	p0 =	sne.s32 s25, $0xFFFFFC00;
	s25 =	sadd.s32 $0x400, s25;
	_ =	swait.ge [sflag:s18], $0x4000  }
0x6a: {  	s26 =	sshra.s32 s26, $0x2;
	[sflag:s18] =	ssyncset.done $0x0  }
0x6b: {  	s28 =	sadd.s32 $0x3B00, s26;
	[sflag:s18] =	ssyncadd.s32 $0xFFFFC000  }
0x6c: {  	[spmem:s3] =	stream.indirect.scatter.add.f32 [tilespmem:s16], [sflag:$0x3], $0x80, s28, s15, $0xb8;
	[tilespmem:$0x1F800] =	vst v63  }
0x6d: {  	_ =	swait.ge [sflag:s13], $0x4000  }
0x6e: {  	[sflag:s13] =	ssyncset.done $0x0  }
0x6f: {  	s28 =	sadd.s32 $0x1400, s26;
	[sflag:s13] =	ssyncadd.s32 $0xFFFFC000  }
0x70: {  	[tilespmem:s16], [sflag:$0x1] =	stream.indirect.gather [hbm4b:s1+s15], $0x80, s28, s15, $0xb8;
	[tilespmem:$0x1F800] =	vst v63  }
0x71: {  	_ =	swait.ge [sflag:s19], $0x4000  }
0x72: {  	[sflag:s19] =	ssyncset.done $0x0  }
.Ltmp1:
0x73: {  	s28 =	sadd.s32 $0x3B80, s26;
	[sflag:s19] =	ssyncadd.s32 $0xFFFFC000;
	(pc) =	sbr.rel @p0 .LBB2_4-.Ltmp1, $4  }
0x74: {  	[spmem:s3] =	stream.indirect.scatter.add.f32 [tilespmem:s17], [sflag:$0x3], $0x80, s28, s15, $0xb8;
	[tilespmem:$0x1F800] =	vst v63  }
0x75: {  	_ =	swait.ge [sflag:s13], $0x4000  }
0x76: {  	[sflag:s13] =	ssyncset.done $0x0  }
0x77: {  	s26 =	sadd.s32 $0x1480, s26;
	[sflag:s13] =	ssyncadd.s32 $0xFFFFC000  }
0x78: {  	[tilespmem:s17], [sflag:$0x2] =	stream.indirect.gather [hbm4b:s1+s15], $0x80, s26, s15, $0xb8;
	[tilespmem:$0x1F800] =	vst v63  }
0x79: {  	_ =	swait.ge [sflag:s18], $0x4000  }
0x7a: {  	[sflag:s18] =	ssyncset.done $0x0  }
0x7b: {  	[sflag:s18] =	ssyncadd.s32 $0xFFFFC000  }
0x7c: {  	[spmem:s3] =	stream.indirect.scatter.add.f32 [tilespmem:s16], [sflag:$0x3], $0x80, s22, s15, $0xb8;
	[tilespmem:$0x1F800] =	vst v63  }
0x7d: {  	_ =	swait.ge [sflag:s13], $0x4000  }
0x7e: {  	[sflag:s13] =	ssyncset.done $0x0  }
0x7f: {  	[sflag:s13] =	ssyncadd.s32 $0xFFFFC000  }
0x80: {  	_ =	swait.ge [sflag:s19], $0x4000  }
0x81: {  	[sflag:s19] =	ssyncset.done $0x0  }
0x82: {  	[sflag:s19] =	ssyncadd.s32 $0xFFFFC000  }
0x83: {  	[spmem:s3] =	stream.indirect.scatter.add.f32 [tilespmem:s17], [sflag:$0x3], $0x80, s23, s15, $0xb8;
	[tilespmem:$0x1F800] =	vst v63  }
0x84: {  	_ =	swait.ge [sflag:s13], $0x4000  }
0x85: {  	s24 =	sadd.s32 $0x1, s24;
	[sflag:s13] =	ssyncset.done $0x0  }
0x86: {  	p0 =	sne.s32 s24, s11;
	[sflag:s13] =	ssyncadd.s32 $0xFFFFC000  }
.Ltmp2:
0x87: {  	[bflag:$0x0] =	sbarrier.arrive $0xFFFF;
	(pc) =	sbr.rel @p0 .LBB2_1-.Ltmp2, $4  }
0x88: {  	[hbm:s10], [sflag:s6] =	dma.local [spmem:s12], $0x2780  }
0x89: {  	_ =	swait.ge [sflag:s13], $0x2780  }
0x8a: {  	[sflag:s13] =	ssyncset.done $0x0  }
0x8b: {  	[sflag:s13] =	ssyncadd.s32 $0xFFFFD880  }
0x8c: {  	_ =	sfence.sel $0x180000  }
0x8d: {  	[bflag:$0x0] =	sbarrier.arrive $0xFFFF  }
0x8e: {  	p0 =	sne.s32 s0, $0x0;
	_ =	strace $0x9000004A  }
0x8f: {  	s0 =	sadd.s32 @!p0 $0x100000, s2;
	[bflag:$0x2] =	sbarrier.arrive $0xFFFF  }
0x90: {  	[sflag:s0] =	ssyncadd.tile.s32 @!p0 $0x1;
	_ =	shalt  }
.Lfunc_end2:
_tile_overlayer_lowered:
.L_overlay_start_2:
0x91: {  	(tag) =	ssettag $0x2  }
0x92: {  	s0 =	rddreg [dreg:$0x0];
	s2 =	stileid.u32  }
0x93: {  	s1 =	rddreg [dreg:$0x1];
	p0 =	sne.s32 s2, $0x0  }
0x94: {  	s3 =	rddreg [dreg:$0x2];
	[bflag:$0x3] =	sbarrier.arrive $0xFFFF;
	s2 =	simm.s32 @!p0 $0x1C03  }
0x95: {  	[timem:s3], [sflag:s2] =	dma.local @!p0 [hbm:s0], s1  }
0x96: {  	s0 =	simm.s32 @!p0 $0x3  }
0x97: {  	_ =	swait.ge @!p0 [sflag:s0], s1  }
0x98: {  	s1 =	ssub.s32 @!p0 $0x0, s1;
	[sflag:s0] =	ssyncset.done @!p0 $0x0  }
0x99: {  	[sflag:s0] =	ssyncadd.s32 @!p0 s1  }
0x9a: {  	[bflag:$0x3] =	sbarrier.arrive $0xFFFF  }
0x9b: {  	_ =	shalt  }

// kernel: kernel.14.cloned.1.call-start
scs
__scs_entry_jumppad:
0x0: {  	(pc) =	sbr.rel $0x88, $3  }
0x1: {  	(tag) =	ssettag $0x0;
	lr =	simm.s32 $0x1  }
0x2: {  	[smem:$0x3F9D] =	sst lr;
	_ =	strace $0xD0000000  }
0x3: {  	_ = 	snop  }
0x4: {  	_ = 	snop  }
0x5: {  	_ = 	snop  }
0x6: {  	_ = 	snop  }
0x7: {  	_ = 	snop  }
__scs_overlays_trampoline_lowered:
0x8: {  	[smem:$0x3FAC] =	sst s0  }
0x9: {  	[smem:$0x3FAD] =	sst s1  }
0xa: {  	[smem:$0x3FAE] =	sst s2  }
0xb: {  	[smem:$0x3FAF] =	sst s3  }
0xc: {  	[smem:$0x3FB0] =	sst s4  }
0xd: {  	[smem:$0x3FB1] =	sst s5  }
0xe: {  	[smem:$0x3FB2] =	sst s6  }
0xf: {  	[smem:$0x3FB3] =	sst s7  }
0x10: {  	[smem:$0x3FB4] =	sst s8  }
0x11: {  	[smem:$0x3FB5] =	sst s9;
	s0 =	simm.s32 @!p0 $0x0  }
0x12: {  	s1 =	sld [smem:$0x3F9B];
	s0 =	simm.s32 @p0 $0x1  }
0x13: {  	[smem:$0x3FB6] =	sst s0;
	s0 =	simm.s32 @!p1 $0x0  }
0x14: {  	s2 =	sld [smem:$0x3F9A];
	s0 =	simm.s32 @p1 $0x1  }
0x15: {  	[smem:$0x3FB7] =	sst s0;
	s0 =	simm.s32 @!p2 $0x0  }
0x16: {  	s3 =	sld [smem:$0x3FDB];
	s0 =	simm.s32 @p2 $0x1  }
0x17: {  	s4 =	simm.s32 $0x1BF5;
	[smem:$0x3FB9] =	sst s0  }
0x18: {  	s0 =	sld [smem:$0x3F9C];
	_ =	swait.ge [sflag:s4], $0x0  }
0x19: {  	s7 =	sld [smem:$0x3F9D]  }
0x1a: {  	s8 =	sadd.s32 $0xFFFFE003, lr  }
0x1b: {  	s9 =	sadd.s32 $0xFFFFFEF7, lr;
	s5 =	simm.s32 $0xFFFFFFFF;
	p2 =	slt.u32 s8, $0xFFFFF086  }
0x1c: {  	p1 =	slt.u32 s9, $0xF7A;
	s5 =	simm.s32 @!p2 $0x0  }
0x1d: {  	s5 =	simm.s32 @p1 $0x1;
	p0 =	seq.s32 s7, s2  }
0x1e: {  	s7 =	smul.u32 @!p0 $0xF7A, s2;
	p2 =	seq.s32 @!p0 s5, $0x0  }
0x1f: {  	s9 =	smul.u32 $0xF7A, s1;
	s8 =	simm.s32 @!p0 $0x1BF5;
	p2 =	por !p2, p0  }
0x20: {  	[sflag:s8] =	ssyncset.s32 @!p0 $0xFFFFF086;
	s6 =	sadd.s32 @!p0 s3, s7;
	s7 =	simm.s32 @!p0 $0x108  }
0x21: {  	s3 =	sadd.s32 s3, s9;
	s6 =	sadd.s32 @!p0 $0x88, s6;
	s7 =	simm.s32 @p2 $0x1082  }
0x22: {  	[simem:s7], [sflag:s8] =	dma.local @!p0 [hbm:s6], $0xF7A  }
0x23: {  	s9 =	sor.u32 $0xD0000000, s2;
	s6 =	simm.s32 $0x108;
	_ =	swait.ge @!p0 [sflag:s8], $0x0  }
0x24: {  	s3 =	sadd.s32 $0x88, s3;
	s6 =	simm.s32 @!p1 $0x1082;
	[sflag:s4] =	ssyncset.s32 $0xFFFFF086  }
0x25: {  	[simem:s6], [sflag:s4] =	dma.local [hbm:s3], $0xF7A  }
0x26: {  	[smem:$0x3F9D] =	sst s1;
	(tag) =	ssettag s2;
	_ =	strace s9  }
0x27: {  	s1 =	sld [smem:$0x3FAD]  }
0x28: {  	s2 =	sld [smem:$0x3FAE]  }
0x29: {  	s4 =	sld [smem:$0x3FB0]  }
0x2a: {  	p0 =	seq.s32 s5, $0x0;
	s5 =	sld [smem:$0x3FB1]  }
0x2b: {  	s6 =	sld [smem:$0x3FB2]  }
0x2c: {  	s7 =	sld [smem:$0x3FB3]  }
0x2d: {  	s3 =	simm.s32 $0x108;
	s8 =	sld [smem:$0x3FB4]  }
0x2e: {  	s3 =	simm.s32 @!p0 $0x1082;
	s9 =	sld [smem:$0x3FB5]  }
0x2f: {  	lr =	sadd.s32 s0, s3;
	s0 =	sld [smem:$0x3FAC]  }
0x30: {  	s3 =	sld [smem:$0x3FAF]  }
0x31: {  	[smem:$0x3FB8] =	sst s10  }
0x32: {  	s10 =	sld [smem:$0x3FB6];
	_ =	sdelay $0x3  }
0x33: {  	p0 =	seq.s32 s10, $0x1;
	s10 =	sld [smem:$0x3FB8];
	_ =	sdelay $0x3  }
0x34: {  	[smem:$0x3FB8] =	sst s10  }
0x35: {  	s10 =	sld [smem:$0x3FB7];
	_ =	sdelay $0x3  }
0x36: {  	p1 =	seq.s32 s10, $0x1;
	s10 =	sld [smem:$0x3FB8];
	_ =	sdelay $0x3  }
0x37: {  	[smem:$0x3FB8] =	sst s10  }
0x38: {  	s10 =	sld [smem:$0x3FB9]  }
0x39: {  	_ = 	snop;
	(pc) =	sbr.ind lr, $3  }
0x3a: {  	_ = 	snop  }
0x3b: {  	_ = 	snop  }
0x3c: {  	p2 =	seq.s32 s10, $0x1;
	s10 =	sld [smem:$0x3FB8]  }
0x3d: {  	_ =	shalt  }
0x3e: {  	_ =	shalt  }
0x3f: {  	_ =	shalt  }
0x40: {  	_ =	shalt  }
0x41: {  	_ =	shalt  }
0x42: {  	_ =	shalt  }
0x43: {  	_ =	shalt  }
0x44: {  	_ =	shalt  }
0x45: {  	_ =	shalt  }
0x46: {  	_ =	shalt  }
0x47: {  	_ =	shalt  }
0x48: {  	_ =	shalt  }
0x49: {  	_ =	shalt  }
0x4a: {  	_ =	shalt  }
0x4b: {  	_ =	shalt  }
0x4c: {  	_ =	shalt  }
0x4d: {  	_ =	shalt  }
0x4e: {  	_ =	shalt  }
0x4f: {  	_ =	shalt  }
0x50: {  	_ =	shalt  }
0x51: {  	_ =	shalt  }
0x52: {  	_ =	shalt  }
0x53: {  	_ =	shalt  }
0x54: {  	_ =	shalt  }
0x55: {  	_ =	shalt  }
0x56: {  	_ =	shalt  }
0x57: {  	_ =	shalt  }
0x58: {  	_ =	shalt  }
0x59: {  	_ =	shalt  }
0x5a: {  	_ =	shalt  }
0x5b: {  	_ =	shalt  }
0x5c: {  	_ =	shalt  }
0x5d: {  	_ =	shalt  }
0x5e: {  	_ =	shalt  }
0x5f: {  	_ =	shalt  }
0x60: {  	_ =	shalt  }
0x61: {  	_ =	shalt  }
0x62: {  	_ =	shalt  }
0x63: {  	_ =	shalt  }
0x64: {  	_ =	shalt  }
0x65: {  	_ =	shalt  }
0x66: {  	_ =	shalt  }
0x67: {  	_ =	shalt  }
0x68: {  	_ =	shalt  }
0x69: {  	_ =	shalt  }
0x6a: {  	_ =	shalt  }
0x6b: {  	_ =	shalt  }
0x6c: {  	_ =	shalt  }
0x6d: {  	_ =	shalt  }
0x6e: {  	_ =	shalt  }
0x6f: {  	_ =	shalt  }
0x70: {  	_ =	shalt  }
0x71: {  	_ =	shalt  }
0x72: {  	_ =	shalt  }
0x73: {  	_ =	shalt  }
0x74: {  	_ =	shalt  }
0x75: {  	_ =	shalt  }
0x76: {  	_ =	shalt  }
0x77: {  	_ =	shalt  }
0x78: {  	_ =	shalt  }
0x79: {  	_ =	shalt  }
0x7a: {  	_ =	shalt  }
0x7b: {  	_ =	shalt  }
0x7c: {  	_ =	shalt  }
0x7d: {  	_ =	shalt  }
0x7e: {  	_ =	shalt  }
0x7f: {  	_ =	shalt  }
0x80: {  	_ =	shalt  }
0x81: {  	_ =	shalt  }
0x82: {  	_ =	shalt  }
0x83: {  	_ =	shalt  }
0x84: {  	_ =	shalt  }
0x85: {  	_ =	shalt  }
0x86: {  	_ =	shalt  }
0x87: {  	_ =	shalt  }
.Lfunc_end0:
.L_simem_size_0:
called_computation.2_lowered:
.L_overlay_start_0:
0x88: {  	s2 =	sld [smem:$0x3FD9]  }
0x89: {  	s3 =	sld [smem:$0x3FFE];
	_ =	sdelay $0x1  }
0x8a: {  	s1 =	srdreg.scid  }
0x8b: {  	s0 =	sand.u32 $0x1, s1  }
0x8c: {  	s17 =	sshll.u32 s0, $0xA;
	s2 =	sadd.s32 s3, s2  }
0x8d: {  	s2 =	sadd.s32 s2, s17  }
0x8e: {  	[smem:$0x3FC4] =	sst s2  }
0x8f: {  	_ = 	snop  }
0x90: {  	s2 =	sld [smem:$0x3FD0];
	(tm) =	ssettm $0x1  }
0x91: {  	s18 =	sld [smem:$0x3FFB];
	_ =	sdelay $0x3  }
0x92: {  	_ =	strace s18  }
0x93: {  	s3 =	sld [smem:$0x3FFC];
	_ =	sdelay $0x3  }
0x94: {  	_ =	strace s3  }
0x95: {  	s3 =	sld [smem:$0x3FFD];
	_ =	sdelay $0x3  }
0x96: {  	_ =	strace s3  }
0x97: {  	_ =	strace $0x8FFFFFFF  }
0x98: {  	s19 =	sld [smem:$0x3FDB];
	_ =	sdelay $0x1  }
0x99: {  	s4 =	simm.s32 $_scs_section_size  }
0x9a: {  	s5 =	simm.s32 $_size__tile_overlayer_lowered;
	s6 =	simm.s32 $_tile_overlayer_lowered  }
0x9b: {  	s22 =	simm.s32 $0x1BFF;
	s21 =	sshll.u32 s6, $0x1;
	s3 =	sadd.s32 s4, s19  }
0x9c: {  	s7 =	simm.s32 $0x0;
	s20 =	sshll.u32 s5, $0x1;
	s5 =	sadd.s32 s21, s3  }
0x9d: {  	[timem:s7], [sflag:s22] =	dma.local [hbm:s5], s20  }
0x9e: {  	_ =	swait.ge [sflag:s22], s20  }
0x9f: {  	s4 =	ssub.s32 $0x0, s20;
	[sflag:s22] =	ssyncset.done $0x0  }
0xa0: {  	[sflag:s22] =	ssyncadd.s32 s4;
	_ =	sdelay $0x1  }
0xa1: {  	s23 =	simm.s32 $0x1B8B  }
0xa2: {  	_ =	swait.ge [sflag:s23], $0x1  }
0xa3: {  	[sflag:s23] =	ssyncset.done $0x0  }
0xa4: {  	s25 =	simm.s32 $0x1B8E;
	s24 =	sld [smem:$0x3FFE];
	[sflag:s23] =	ssyncadd.s32 $0xFFFFFFFF  }
0xa5: {  	s26 =	simm.s32 $execute0_lowered;
	[smem:$0x3FD2] =	sst s25  }
0xa6: {  	s5 =	sshll.u32 s26, $0x1;
	_ =	strace $0x8000004C;
	[dreg:$0x1] =	wrdreg $0xFFFFFFFF  }
0xa7: {  	s28 =	simm.s32 $_size_execute0_lowered;
	s3 =	sadd.s32 s3, s5;
	[dreg:$0x0] =	wrdreg $0x0  }
0xa8: {  	s5 =	sshll.u32 s28, $0x1;
	[dreg:$0x2] =	wrdreg s3  }
0xa9: {  	[dreg:$0x3] =	wrdreg s5  }
0xaa: {  	[dreg:$0x4] =	wrdreg $0xC0  }
0xab: {  	_ =	task [dreg:s7], $0x5FFFF  }
0xac: {  	[dreg:$0x1] =	wrdreg $0xFFFFFFFF  }
0xad: {  	[dreg:$0x0] =	wrdreg $0x60  }
0xae: {  	[dreg:$0x2] =	wrdreg s2  }
0xaf: {  	[dreg:$0x3] =	wrdreg s24  }
0xb0: {  	[dreg:$0x4] =	wrdreg $0xBC000  }
0xb1: {  	[dreg:$0x5] =	wrdreg $0x9  }
0xb2: {  	_ =	task.clear_ibuf [dreg:s7], $0x6FFFF;
	_ =	strace $0x9000004C  }
0xb3: {  	s29 =	simm.s32 $0x9;
	_ =	strace $0x8000004E  }
0xb4: {  	_ =	swait.ge [sflag:s29], $0x1  }
0xb5: {  	[sflag:s29] =	ssyncadd.s32 $0xFFFFFFFF  }
0xb6: {  	_ =	strace $0x9000004E  }
0xb7: {  	_ =	sfence  }
0xb8: {  	s30 =	sld [smem:$0x0];
	_ =	sdelay $0x2  }
0xb9: {  	s31 =	sshll.u32 s1, $0xD;
	s1 =	sshrl.u32 s1, $0x2  }
0xba: {  	s3 =	sand.u32 $0x4000, s31;
	s1 =	sadd.s32 s1, s30  }
0xbb: {  	s0 =	sor.u32 s3, s0;
	s1 =	sshll.u32 s1, $0x11  }
0xbc: {  	s0 =	sor.u32 s1, s0  }
0xbd: {  	s0 =	sadd.s32 $0x8F2B, s0  }
0xbe: {  	[sflag:s0] =	ssyncadd.remote.s32 $0x1  }
0xbf: {  	_ =	sfence.sel $0xFFFF  }
0xc0: {  	[dreg:$0x0] =	wrdreg $0xFFFFFFFF;
	(pc) =	sbr.abs _section_cstart, $3  }
0xc1: {  	[dreg:$0x1] =	wrdreg $0xFFFFFFFF  }
0xc2: {  	_ =	task.clear_ibuf [dreg:s7], $0x2FFFF;
	_ =	strace $0x9FFFFFFF  }
0xc3: {  	(tm) =	ssettm $0x7FFFFFFF  }
tec
execute0_lowered:
.L_overlay_start_1:
0x0: {  	(tag) =	ssettag $0x1  }
0x1: {  	s2 =	srdreg.scid;
	s1 =	rddreg [dreg:$0x0]  }
0x2: {  	s0 =	stileid.u32;
	s6 =	rddreg [dreg:$0x1]  }
0x3: {  	s3 =	rddreg [dreg:$0x2];
	s4 =	simm.s32 $0x0;
	s14 =	simm.s32 $0x1400  }
0x4: {  	s15 =	simm.s32 $0x80;
	s16 =	simm.s32 $0x3C00;
	s17 =	simm.s32 $0x7C00  }
0x5: {  	s18 =	simm.s32 $0x1;
	s19 =	simm.s32 $0x2;
	s20 =	simm.s32 $0x2700  }
0x6: {  	s21 =	simm.s32 $0x2780;
	s22 =	simm.s32 $0x3B00;
	s23 =	simm.s32 $0x3B80  }
0x7: {  	s24 =	simm.s32 $0x0;
	s5 =	sand.u32 $0x1, s2;
	s8 =	smul.u32 $0x13C00, s0  }
0x8: {  	s25 =	sshll.u32 s0, $0x1;
	[smem:$0x7FF] =	sst s4;
	s28 =	smul.u32 $0x4F000, s0  }
0x9: {  	s31 =	sshll.u32 s0, $0x6;
	s2 =	sor.u32 s5, s25;
	s9 =	smul.u32 $0x13C000, s5  }
0xa: {  	s5 =	ssub.s32 $0x2, s5;
	s7 =	smul.u32 $0x2800, s2;
	s2 =	rddreg [dreg:$0x3]  }
0xb: {  	_ =	strace $0x8000004D;
	s26 =	sshrl.u32 s8, $0x3;
	s29 =	sshrl.u32 s5, $0x1  }
0xc: {  	s30 =	sshrl.u32 s28, $0x2;
	s8 =	sadd.s32 s8, s9;
	s12 =	ssub.s32 s5, s29  }
0xd: {  	s13 =	sadd.s32 s30, s3;
	s7 =	sshrl.u32 s7, $0x3;
	s8 =	sshrl.u32 s8, $0x3  }
0xe: {  	s10 =	sadd.s32 s7, s6;
	s7 =	sadd.s32 s26, s6;
	s11 =	sadd.s32 s8, s6  }
0xf: {  	s6 =	sor.u32 $0x1C03, s31;
	s5 =	sadd.s32 $0x2A00, s7;
	s7 =	sadd.s32 $0x79200, s10  }
0x10: {  	s8 =	sadd.s32 $0x83200, s10;
	s9 =	sadd.s32 $0x83480, s10;
	s10 =	sadd.s32 $0x2A200, s11  }
0x11: {  	s11 =	smax.u32 s12, $0x1;
	s12 =	sshrl.u32 s13, $0x3;
	s13 =	simm.s32 $0x3  }
.LBB2_1:
0x12: {  	[spmem:s12], [sflag:s6] =	dma.local [hbm:s5], $0x2780  }
0x13: {  	_ =	swait.ge [sflag:s13], $0x2780  }
0x14: {  	[sflag:s13] =	ssyncset.done $0x0  }
0x15: {  	[sflag:s13] =	ssyncadd.s32 $0xFFFFD880  }
0x16: {  	[tilespmem:s14], [sflag:$0x3] =	stream.linear.gather [hbm4b:s7+s4], $0x2800, $0x38;
	[tilespmem:$0x1F800] =	vst v63  }
0x17: {  	_ =	swait.ge [sflag:s13], $0x2800  }
0x18: {  	[sflag:s13] =	ssyncset.done $0x0  }
0x19: {  	[sflag:s13] =	ssyncadd.s32 $0xFFFFD800  }
0x1a: {  	[bflag:$0x0] =	sbarrier.arrive $0xFFFF  }
0x1b: {  	[tilespmem:s4], [sflag:$0x3] =	stream.linear.gather [hbm4b:s8+s4], $0x1400, $0x38;
	[tilespmem:$0x1F800] =	vst v63  }
0x1c: {  	_ =	swait.ge [sflag:s13], $0x1400  }
0x1d: {  	[sflag:s13] =	ssyncset.done $0x0  }
0x1e: {  	[sflag:s13] =	ssyncadd.s32 $0xFFFFEC00  }
0x1f: {  	[tilespmem:s16], [sflag:$0x1] =	stream.indirect.gather [hbm4b:s1+s15], $0x80, s4, s15, $0xb8;
	[tilespmem:$0x1F800] =	vst v63  }
0x20: {  	_ = 	snop  }
0x21: {  	[tilespmem:s17], [sflag:$0x2] =	stream.indirect.gather [hbm4b:s1+s15], $0x80, s15, s15, $0xb8;
	[tilespmem:$0x1F800] =	vst v63  }
0x22: {  	_ =	swait.ge [sflag:s18], $0x4000  }
0x23: {  	[sflag:s18] =	ssyncset.done $0x0  }
0x24: {  	s25 =	simm.s32 $0x1400;
	[sflag:s18] =	ssyncadd.s32 $0xFFFFC000  }
0x25: {  	[spmem:s3] =	stream.indirect.scatter.add.f32 [tilespmem:s16], [sflag:$0x3], $0x80, s25, s15, $0xb8;
	[tilespmem:$0x1F800] =	vst v63  }
0x26: {  	_ =	swait.ge [sflag:s13], $0x4000  }
0x27: {  	[sflag:s13] =	ssyncset.done $0x0  }
0x28: {  	s30 =	simm.s32 $0x100;
	[sflag:s13] =	ssyncadd.s32 $0xFFFFC000  }
0x29: {  	[tilespmem:s16], [sflag:$0x1] =	stream.indirect.gather [hbm4b:s1+s15], $0x80, s30, s15, $0xb8;
	[tilespmem:$0x1F800] =	vst v63  }
0x2a: {  	_ =	swait.ge [sflag:s19], $0x4000  }
0x2b: {  	[sflag:s19] =	ssyncset.done $0x0  }
0x2c: {  	s31 =	simm.s32 $0x1480;
	[sflag:s19] =	ssyncadd.s32 $0xFFFFC000  }
0x2d: {  	[spmem:s3] =	stream.indirect.scatter.add.f32 [tilespmem:s17], [sflag:$0x3], $0x80, s31, s15, $0xb8;
	[tilespmem:$0x1F800] =	vst v63  }
0x2e: {  	_ =	swait.ge [sflag:s13], $0x4000  }
0x2f: {  	[sflag:s13] =	ssyncset.done $0x0  }
0x30: {  	s26 =	simm.s32 $0x180;
	s25 =	simm.s32 $0x400;
	[sflag:s13] =	ssyncadd.s32 $0xFFFFC000  }
.LBB2_2:
0x31: {  	[tilespmem:s17], [sflag:$0x2] =	stream.indirect.gather [hbm4b:s1+s15], $0x80, s26, s15, $0xb8;
	[tilespmem:$0x1F800] =	vst v63  }
0x32: {  	s26 =	smov.u32 s25  }
0x33: {  	p0 =	sne.s32 s25, $0x4800;
	s25 =	sadd.s32 $0x400, s25;
	_ =	swait.ge [sflag:s18], $0x4000  }
0x34: {  	s26 =	sshra.s32 s26, $0x2;
	[sflag:s18] =	ssyncset.done $0x0  }
0x35: {  	s28 =	sadd.s32 $0x1400, s26;
	[sflag:s18] =	ssyncadd.s32 $0xFFFFC000  }
0x36: {  	[spmem:s3] =	stream.indirect.scatter.add.f32 [tilespmem:s16], [sflag:$0x3], $0x80, s28, s15, $0xb8;
	[tilespmem:$0x1F800] =	vst v63  }
0x37: {  	_ =	swait.ge [sflag:s13], $0x4000  }
0x38: {  	[sflag:s13] =	ssyncset.done $0x0  }
0x39: {  	s28 =	sadd.s32 $0x100, s26;
	[sflag:s13] =	ssyncadd.s32 $0xFFFFC000  }
0x3a: {  	[tilespmem:s16], [sflag:$0x1] =	stream.indirect.gather [hbm4b:s1+s15], $0x80, s28, s15, $0xb8;
	[tilespmem:$0x1F800] =	vst v63  }
0x3b: {  	_ =	swait.ge [sflag:s19], $0x4000  }
0x3c: {  	[sflag:s19] =	ssyncset.done $0x0  }
.Ltmp0:
0x3d: {  	s28 =	sadd.s32 $0x1480, s26;
	[sflag:s19] =	ssyncadd.s32 $0xFFFFC000;
	(pc) =	sbr.rel @p0 .LBB2_2-.Ltmp0, $4  }
0x3e: {  	[spmem:s3] =	stream.indirect.scatter.add.f32 [tilespmem:s17], [sflag:$0x3], $0x80, s28, s15, $0xb8;
	[tilespmem:$0x1F800] =	vst v63  }
0x3f: {  	_ =	swait.ge [sflag:s13], $0x4000  }
0x40: {  	[sflag:s13] =	ssyncset.done $0x0  }
0x41: {  	s26 =	sadd.s32 $0x180, s26;
	[sflag:s13] =	ssyncadd.s32 $0xFFFFC000  }
0x42: {  	[tilespmem:s17], [sflag:$0x2] =	stream.indirect.gather [hbm4b:s1+s15], $0x80, s26, s15, $0xb8;
	[tilespmem:$0x1F800] =	vst v63  }
0x43: {  	_ =	swait.ge [sflag:s18], $0x4000  }
0x44: {  	[sflag:s18] =	ssyncset.done $0x0  }
0x45: {  	[sflag:s18] =	ssyncadd.s32 $0xFFFFC000  }
0x46: {  	[spmem:s3] =	stream.indirect.scatter.add.f32 [tilespmem:s16], [sflag:$0x3], $0x80, s20, s15, $0xb8;
	[tilespmem:$0x1F800] =	vst v63  }
0x47: {  	_ =	swait.ge [sflag:s13], $0x4000  }
0x48: {  	[sflag:s13] =	ssyncset.done $0x0  }
0x49: {  	[sflag:s13] =	ssyncadd.s32 $0xFFFFC000  }
0x4a: {  	_ =	swait.ge [sflag:s19], $0x4000  }
0x4b: {  	[sflag:s19] =	ssyncset.done $0x0  }
0x4c: {  	[sflag:s19] =	ssyncadd.s32 $0xFFFFC000  }
0x4d: {  	[spmem:s3] =	stream.indirect.scatter.add.f32 [tilespmem:s17], [sflag:$0x3], $0x80, s21, s15, $0xb8;
	[tilespmem:$0x1F800] =	vst v63  }
0x4e: {  	_ =	swait.ge [sflag:s13], $0x4000  }
0x4f: {  	[sflag:s13] =	ssyncset.done $0x0  }
0x50: {  	[sflag:s13] =	ssyncadd.s32 $0xFFFFC000  }
0x51: {  	[tilespmem:s4], [sflag:$0x3] =	stream.linear.gather [hbm4b:s9+s4], $0x1400, $0x38;
	[tilespmem:$0x1F800] =	vst v63  }
0x52: {  	_ =	swait.ge [sflag:s13], $0x1400  }
0x53: {  	[sflag:s13] =	ssyncset.done $0x0  }
0x54: {  	[sflag:s13] =	ssyncadd.s32 $0xFFFFEC00  }
0x55: {  	[tilespmem:s16], [sflag:$0x1] =	stream.indirect.gather [hbm4b:s1+s15], $0x80, s4, s15, $0xb8;
	[tilespmem:$0x1F800] =	vst v63  }
0x56: {  	_ = 	snop  }
0x57: {  	[tilespmem:s17], [sflag:$0x2] =	stream.indirect.gather [hbm4b:s1+s15], $0x80, s15, s15, $0xb8;
	[tilespmem:$0x1F800] =	vst v63  }
0x58: {  	_ =	swait.ge [sflag:s18], $0x4000  }
0x59: {  	[sflag:s18] =	ssyncset.done $0x0  }
0x5a: {  	s25 =	simm.s32 $0x2800;
	[sflag:s18] =	ssyncadd.s32 $0xFFFFC000  }
0x5b: {  	[spmem:s3] =	stream.indirect.scatter.add.f32 [tilespmem:s16], [sflag:$0x3], $0x80, s25, s15, $0xb8;
	[tilespmem:$0x1F800] =	vst v63  }
0x5c: {  	_ =	swait.ge [sflag:s13], $0x4000  }
0x5d: {  	[sflag:s13] =	ssyncset.done $0x0  }
0x5e: {  	s30 =	simm.s32 $0x100;
	[sflag:s13] =	ssyncadd.s32 $0xFFFFC000  }
0x5f: {  	[tilespmem:s16], [sflag:$0x1] =	stream.indirect.gather [hbm4b:s1+s15], $0x80, s30, s15, $0xb8;
	[tilespmem:$0x1F800] =	vst v63  }
0x60: {  	_ =	swait.ge [sflag:s19], $0x4000  }
0x61: {  	[sflag:s19] =	ssyncset.done $0x0  }
0x62: {  	s31 =	simm.s32 $0x2880;
	[sflag:s19] =	ssyncadd.s32 $0xFFFFC000  }
0x63: {  	[spmem:s3] =	stream.indirect.scatter.add.f32 [tilespmem:s17], [sflag:$0x3], $0x80, s31, s15, $0xb8;
	[tilespmem:$0x1F800] =	vst v63  }
0x64: {  	_ =	swait.ge [sflag:s13], $0x4000  }
0x65: {  	[sflag:s13] =	ssyncset.done $0x0  }
0x66: {  	s26 =	simm.s32 $0x180;
	s25 =	simm.s32 $0xFFFFB800;
	[sflag:s13] =	ssyncadd.s32 $0xFFFFC000  }
.LBB2_4:
0x67: {  	[tilespmem:s17], [sflag:$0x2] =	stream.indirect.gather [hbm4b:s1+s15], $0x80, s26, s15, $0xb8;
	[tilespmem:$0x1F800] =	vst v63  }
0x68: {  	s26 =	smov.u32 s25  }
0x69: {  	p0 =	sne.s32 s25, $0xFFFFFC00;
	s25 =	sadd.s32 $0x400, s25;
	_ =	swait.ge [sflag:s18], $0x4000  }
0x6a: {  	s26 =	sshra.s32 s26, $0x2;
	[sflag:s18] =	ssyncset.done $0x0  }
0x6b: {  	s28 =	sadd.s32 $0x3B00, s26;
	[sflag:s18] =	ssyncadd.s32 $0xFFFFC000  }
0x6c: {  	[spmem:s3] =	stream.indirect.scatter.add.f32 [tilespmem:s16], [sflag:$0x3], $0x80, s28, s15, $0xb8;
	[tilespmem:$0x1F800] =	vst v63  }
0x6d: {  	_ =	swait.ge [sflag:s13], $0x4000  }
0x6e: {  	[sflag:s13] =	ssyncset.done $0x0  }
0x6f: {  	s28 =	sadd.s32 $0x1400, s26;
	[sflag:s13] =	ssyncadd.s32 $0xFFFFC000  }
0x70: {  	[tilespmem:s16], [sflag:$0x1] =	stream.indirect.gather [hbm4b:s1+s15], $0x80, s28, s15, $0xb8;
	[tilespmem:$0x1F800] =	vst v63  }
0x71: {  	_ =	swait.ge [sflag:s19], $0x4000  }
0x72: {  	[sflag:s19] =	ssyncset.done $0x0  }
.Ltmp1:
0x73: {  	s28 =	sadd.s32 $0x3B80, s26;
	[sflag:s19] =	ssyncadd.s32 $0xFFFFC000;
	(pc) =	sbr.rel @p0 .LBB2_4-.Ltmp1, $4  }
0x74: {  	[spmem:s3] =	stream.indirect.scatter.add.f32 [tilespmem:s17], [sflag:$0x3], $0x80, s28, s15, $0xb8;
	[tilespmem:$0x1F800] =	vst v63  }
0x75: {  	_ =	swait.ge [sflag:s13], $0x4000  }
0x76: {  	[sflag:s13] =	ssyncset.done $0x0  }
0x77: {  	s26 =	sadd.s32 $0x1480, s26;
	[sflag:s13] =	ssyncadd.s32 $0xFFFFC000  }
0x78: {  	[tilespmem:s17], [sflag:$0x2] =	stream.indirect.gather [hbm4b:s1+s15], $0x80, s26, s15, $0xb8;
	[tilespmem:$0x1F800] =	vst v63  }
0x79: {  	_ =	swait.ge [sflag:s18], $0x4000  }
0x7a: {  	[sflag:s18] =	ssyncset.done $0x0  }
0x7b: {  	[sflag:s18] =	ssyncadd.s32 $0xFFFFC000  }
0x7c: {  	[spmem:s3] =	stream.indirect.scatter.add.f32 [tilespmem:s16], [sflag:$0x3], $0x80, s22, s15, $0xb8;
	[tilespmem:$0x1F800] =	vst v63  }
0x7d: {  	_ =	swait.ge [sflag:s13], $0x4000  }
0x7e: {  	[sflag:s13] =	ssyncset.done $0x0  }
0x7f: {  	[sflag:s13] =	ssyncadd.s32 $0xFFFFC000  }
0x80: {  	_ =	swait.ge [sflag:s19], $0x4000  }
0x81: {  	[sflag:s19] =	ssyncset.done $0x0  }
0x82: {  	[sflag:s19] =	ssyncadd.s32 $0xFFFFC000  }
0x83: {  	[spmem:s3] =	stream.indirect.scatter.add.f32 [tilespmem:s17], [sflag:$0x3], $0x80, s23, s15, $0xb8;
	[tilespmem:$0x1F800] =	vst v63  }
0x84: {  	_ =	swait.ge [sflag:s13], $0x4000  }
0x85: {  	s24 =	sadd.s32 $0x1, s24;
	[sflag:s13] =	ssyncset.done $0x0  }
0x86: {  	p0 =	sne.s32 s24, s11;
	[sflag:s13] =	ssyncadd.s32 $0xFFFFC000  }
.Ltmp2:
0x87: {  	[bflag:$0x0] =	sbarrier.arrive $0xFFFF;
	(pc) =	sbr.rel @p0 .LBB2_1-.Ltmp2, $4  }
0x88: {  	[hbm:s10], [sflag:s6] =	dma.local [spmem:s12], $0x2780  }
0x89: {  	_ =	swait.ge [sflag:s13], $0x2780  }
0x8a: {  	[sflag:s13] =	ssyncset.done $0x0  }
0x8b: {  	[sflag:s13] =	ssyncadd.s32 $0xFFFFD880  }
0x8c: {  	_ =	sfence.sel $0x180000  }
0x8d: {  	[bflag:$0x0] =	sbarrier.arrive $0xFFFF  }
0x8e: {  	p0 =	sne.s32 s0, $0x0;
	_ =	strace $0x9000004D  }
0x8f: {  	s0 =	sadd.s32 @!p0 $0x100000, s2;
	[bflag:$0x2] =	sbarrier.arrive $0xFFFF  }
0x90: {  	[sflag:s0] =	ssyncadd.tile.s32 @!p0 $0x1;
	_ =	shalt  }
.Lfunc_end2:
_tile_overlayer_lowered:
.L_overlay_start_2:
0x91: {  	(tag) =	ssettag $0x2  }
0x92: {  	s0 =	rddreg [dreg:$0x0];
	s2 =	stileid.u32  }
0x93: {  	s1 =	rddreg [dreg:$0x1];
	p0 =	sne.s32 s2, $0x0  }
0x94: {  	s3 =	rddreg [dreg:$0x2];
	[bflag:$0x3] =	sbarrier.arrive $0xFFFF;
	s2 =	simm.s32 @!p0 $0x1C03  }
0x95: {  	[timem:s3], [sflag:s2] =	dma.local @!p0 [hbm:s0], s1  }
0x96: {  	s0 =	simm.s32 @!p0 $0x3  }
0x97: {  	_ =	swait.ge @!p0 [sflag:s0], s1  }
0x98: {  	s1 =	ssub.s32 @!p0 $0x0, s1;
	[sflag:s0] =	ssyncset.done @!p0 $0x0  }
0x99: {  	[sflag:s0] =	ssyncadd.s32 @!p0 s1  }
0x9a: {  	[bflag:$0x3] =	sbarrier.arrive $0xFFFF  }
0x9b: {  	_ =	shalt  }

// kernel: kernel.8.cloned.1.call-start
scs
__scs_entry_jumppad:
0x0: {  	(pc) =	sbr.rel $0x88, $3  }
0x1: {  	(tag) =	ssettag $0x0;
	lr =	simm.s32 $0x1  }
0x2: {  	[smem:$0x3F9D] =	sst lr;
	_ =	strace $0xD0000000  }
0x3: {  	_ = 	snop  }
0x4: {  	_ = 	snop  }
0x5: {  	_ = 	snop  }
0x6: {  	_ = 	snop  }
0x7: {  	_ = 	snop  }
__scs_overlays_trampoline_lowered:
0x8: {  	[smem:$0x3FAC] =	sst s0  }
0x9: {  	[smem:$0x3FAD] =	sst s1  }
0xa: {  	[smem:$0x3FAE] =	sst s2  }
0xb: {  	[smem:$0x3FAF] =	sst s3  }
0xc: {  	[smem:$0x3FB0] =	sst s4  }
0xd: {  	[smem:$0x3FB1] =	sst s5  }
0xe: {  	[smem:$0x3FB2] =	sst s6  }
0xf: {  	[smem:$0x3FB3] =	sst s7  }
0x10: {  	[smem:$0x3FB4] =	sst s8  }
0x11: {  	[smem:$0x3FB5] =	sst s9;
	s0 =	simm.s32 @!p0 $0x0  }
0x12: {  	s1 =	sld [smem:$0x3F9B];
	s0 =	simm.s32 @p0 $0x1  }
0x13: {  	[smem:$0x3FB6] =	sst s0;
	s0 =	simm.s32 @!p1 $0x0  }
0x14: {  	s2 =	sld [smem:$0x3F9A];
	s0 =	simm.s32 @p1 $0x1  }
0x15: {  	[smem:$0x3FB7] =	sst s0;
	s0 =	simm.s32 @!p2 $0x0  }
0x16: {  	s3 =	sld [smem:$0x3FDB];
	s0 =	simm.s32 @p2 $0x1  }
0x17: {  	s4 =	simm.s32 $0x1BF5;
	[smem:$0x3FB9] =	sst s0  }
0x18: {  	s0 =	sld [smem:$0x3F9C];
	_ =	swait.ge [sflag:s4], $0x0  }
0x19: {  	s7 =	sld [smem:$0x3F9D]  }
0x1a: {  	s8 =	sadd.s32 $0xFFFFE003, lr  }
0x1b: {  	s9 =	sadd.s32 $0xFFFFFEF7, lr;
	s5 =	simm.s32 $0xFFFFFFFF;
	p2 =	slt.u32 s8, $0xFFFFF086  }
0x1c: {  	p1 =	slt.u32 s9, $0xF7A;
	s5 =	simm.s32 @!p2 $0x0  }
0x1d: {  	s5 =	simm.s32 @p1 $0x1;
	p0 =	seq.s32 s7, s2  }
0x1e: {  	s7 =	smul.u32 @!p0 $0xF7A, s2;
	p2 =	seq.s32 @!p0 s5, $0x0  }
0x1f: {  	s9 =	smul.u32 $0xF7A, s1;
	s8 =	simm.s32 @!p0 $0x1BF5;
	p2 =	por !p2, p0  }
0x20: {  	[sflag:s8] =	ssyncset.s32 @!p0 $0xFFFFF086;
	s6 =	sadd.s32 @!p0 s3, s7;
	s7 =	simm.s32 @!p0 $0x108  }
0x21: {  	s3 =	sadd.s32 s3, s9;
	s6 =	sadd.s32 @!p0 $0x88, s6;
	s7 =	simm.s32 @p2 $0x1082  }
0x22: {  	[simem:s7], [sflag:s8] =	dma.local @!p0 [hbm:s6], $0xF7A  }
0x23: {  	s9 =	sor.u32 $0xD0000000, s2;
	s6 =	simm.s32 $0x108;
	_ =	swait.ge @!p0 [sflag:s8], $0x0  }
0x24: {  	s3 =	sadd.s32 $0x88, s3;
	s6 =	simm.s32 @!p1 $0x1082;
	[sflag:s4] =	ssyncset.s32 $0xFFFFF086  }
0x25: {  	[simem:s6], [sflag:s4] =	dma.local [hbm:s3], $0xF7A  }
0x26: {  	[smem:$0x3F9D] =	sst s1;
	(tag) =	ssettag s2;
	_ =	strace s9  }
0x27: {  	s1 =	sld [smem:$0x3FAD]  }
0x28: {  	s2 =	sld [smem:$0x3FAE]  }
0x29: {  	s4 =	sld [smem:$0x3FB0]  }
0x2a: {  	p0 =	seq.s32 s5, $0x0;
	s5 =	sld [smem:$0x3FB1]  }
0x2b: {  	s6 =	sld [smem:$0x3FB2]  }
0x2c: {  	s7 =	sld [smem:$0x3FB3]  }
0x2d: {  	s3 =	simm.s32 $0x108;
	s8 =	sld [smem:$0x3FB4]  }
0x2e: {  	s3 =	simm.s32 @!p0 $0x1082;
	s9 =	sld [smem:$0x3FB5]  }
0x2f: {  	lr =	sadd.s32 s0, s3;
	s0 =	sld [smem:$0x3FAC]  }
0x30: {  	s3 =	sld [smem:$0x3FAF]  }
0x31: {  	[smem:$0x3FB8] =	sst s10  }
0x32: {  	s10 =	sld [smem:$0x3FB6];
	_ =	sdelay $0x3  }
0x33: {  	p0 =	seq.s32 s10, $0x1;
	s10 =	sld [smem:$0x3FB8];
	_ =	sdelay $0x3  }
0x34: {  	[smem:$0x3FB8] =	sst s10  }
0x35: {  	s10 =	sld [smem:$0x3FB7];
	_ =	sdelay $0x3  }
0x36: {  	p1 =	seq.s32 s10, $0x1;
	s10 =	sld [smem:$0x3FB8];
	_ =	sdelay $0x3  }
0x37: {  	[smem:$0x3FB8] =	sst s10  }
0x38: {  	s10 =	sld [smem:$0x3FB9]  }
0x39: {  	_ = 	snop;
	(pc) =	sbr.ind lr, $3  }
0x3a: {  	_ = 	snop  }
0x3b: {  	_ = 	snop  }
0x3c: {  	p2 =	seq.s32 s10, $0x1;
	s10 =	sld [smem:$0x3FB8]  }
0x3d: {  	_ =	shalt  }
0x3e: {  	_ =	shalt  }
0x3f: {  	_ =	shalt  }
0x40: {  	_ =	shalt  }
0x41: {  	_ =	shalt  }
0x42: {  	_ =	shalt  }
0x43: {  	_ =	shalt  }
0x44: {  	_ =	shalt  }
0x45: {  	_ =	shalt  }
0x46: {  	_ =	shalt  }
0x47: {  	_ =	shalt  }
0x48: {  	_ =	shalt  }
0x49: {  	_ =	shalt  }
0x4a: {  	_ =	shalt  }
0x4b: {  	_ =	shalt  }
0x4c: {  	_ =	shalt  }
0x4d: {  	_ =	shalt  }
0x4e: {  	_ =	shalt  }
0x4f: {  	_ =	shalt  }
0x50: {  	_ =	shalt  }
0x51: {  	_ =	shalt  }
0x52: {  	_ =	shalt  }
0x53: {  	_ =	shalt  }
0x54: {  	_ =	shalt  }
0x55: {  	_ =	shalt  }
0x56: {  	_ =	shalt  }
0x57: {  	_ =	shalt  }
0x58: {  	_ =	shalt  }
0x59: {  	_ =	shalt  }
0x5a: {  	_ =	shalt  }
0x5b: {  	_ =	shalt  }
0x5c: {  	_ =	shalt  }
0x5d: {  	_ =	shalt  }
0x5e: {  	_ =	shalt  }
0x5f: {  	_ =	shalt  }
0x60: {  	_ =	shalt  }
0x61: {  	_ =	shalt  }
0x62: {  	_ =	shalt  }
0x63: {  	_ =	shalt  }
0x64: {  	_ =	shalt  }
0x65: {  	_ =	shalt  }
0x66: {  	_ =	shalt  }
0x67: {  	_ =	shalt  }
0x68: {  	_ =	shalt  }
0x69: {  	_ =	shalt  }
0x6a: {  	_ =	shalt  }
0x6b: {  	_ =	shalt  }
0x6c: {  	_ =	shalt  }
0x6d: {  	_ =	shalt  }
0x6e: {  	_ =	shalt  }
0x6f: {  	_ =	shalt  }
0x70: {  	_ =	shalt  }
0x71: {  	_ =	shalt  }
0x72: {  	_ =	shalt  }
0x73: {  	_ =	shalt  }
0x74: {  	_ =	shalt  }
0x75: {  	_ =	shalt  }
0x76: {  	_ =	shalt  }
0x77: {  	_ =	shalt  }
0x78: {  	_ =	shalt  }
0x79: {  	_ =	shalt  }
0x7a: {  	_ =	shalt  }
0x7b: {  	_ =	shalt  }
0x7c: {  	_ =	shalt  }
0x7d: {  	_ =	shalt  }
0x7e: {  	_ =	shalt  }
0x7f: {  	_ =	shalt  }
0x80: {  	_ =	shalt  }
0x81: {  	_ =	shalt  }
0x82: {  	_ =	shalt  }
0x83: {  	_ =	shalt  }
0x84: {  	_ =	shalt  }
0x85: {  	_ =	shalt  }
0x86: {  	_ =	shalt  }
0x87: {  	_ =	shalt  }
.Lfunc_end0:
.L_simem_size_0:
called_computation_lowered:
.L_overlay_start_0:
0x88: {  	s2 =	sld [smem:$0x3FD9]  }
0x89: {  	s3 =	sld [smem:$0x3FFE];
	_ =	sdelay $0x1  }
0x8a: {  	s1 =	srdreg.scid  }
0x8b: {  	s0 =	sand.u32 $0x1, s1  }
0x8c: {  	s17 =	sshll.u32 s0, $0xA;
	s2 =	sadd.s32 s3, s2  }
0x8d: {  	s2 =	sadd.s32 s2, s17  }
0x8e: {  	[smem:$0x3FC4] =	sst s2  }
0x8f: {  	_ = 	snop  }
0x90: {  	s2 =	sld [smem:$0x3FD0];
	(tm) =	ssettm $0x1  }
0x91: {  	s18 =	sld [smem:$0x3FFB];
	_ =	sdelay $0x3  }
0x92: {  	_ =	strace s18  }
0x93: {  	s3 =	sld [smem:$0x3FFC];
	_ =	sdelay $0x3  }
0x94: {  	_ =	strace s3  }
0x95: {  	s3 =	sld [smem:$0x3FFD];
	_ =	sdelay $0x3  }
0x96: {  	_ =	strace s3  }
0x97: {  	_ =	strace $0x8FFFFFFF  }
0x98: {  	s19 =	sld [smem:$0x3FDB];
	_ =	sdelay $0x1  }
0x99: {  	s4 =	simm.s32 $_scs_section_size  }
0x9a: {  	s5 =	simm.s32 $_size__tile_overlayer_lowered;
	s6 =	simm.s32 $_tile_overlayer_lowered  }
0x9b: {  	s22 =	simm.s32 $0x1BFF;
	s21 =	sshll.u32 s6, $0x1;
	s3 =	sadd.s32 s4, s19  }
0x9c: {  	s7 =	simm.s32 $0x0;
	s20 =	sshll.u32 s5, $0x1;
	s5 =	sadd.s32 s21, s3  }
0x9d: {  	[timem:s7], [sflag:s22] =	dma.local [hbm:s5], s20  }
0x9e: {  	_ =	swait.ge [sflag:s22], s20  }
0x9f: {  	s4 =	ssub.s32 $0x0, s20;
	[sflag:s22] =	ssyncset.done $0x0  }
0xa0: {  	[sflag:s22] =	ssyncadd.s32 s4;
	_ =	sdelay $0x1  }
0xa1: {  	s23 =	simm.s32 $0x1B8B  }
0xa2: {  	_ =	swait.ge [sflag:s23], $0x1  }
0xa3: {  	[sflag:s23] =	ssyncset.done $0x0  }
0xa4: {  	s25 =	simm.s32 $0x1B8E;
	s24 =	sld [smem:$0x3FFE];
	[sflag:s23] =	ssyncadd.s32 $0xFFFFFFFF  }
0xa5: {  	s26 =	simm.s32 $execute0_lowered;
	[smem:$0x3FD2] =	sst s25  }
0xa6: {  	s5 =	sshll.u32 s26, $0x1;
	_ =	strace $0x80000046;
	[dreg:$0x1] =	wrdreg $0xFFFFFFFF  }
0xa7: {  	s28 =	simm.s32 $_size_execute0_lowered;
	s3 =	sadd.s32 s3, s5;
	[dreg:$0x0] =	wrdreg $0x0  }
0xa8: {  	s5 =	sshll.u32 s28, $0x1;
	[dreg:$0x2] =	wrdreg s3  }
0xa9: {  	[dreg:$0x3] =	wrdreg s5  }
0xaa: {  	[dreg:$0x4] =	wrdreg $0xC0  }
0xab: {  	_ =	task [dreg:s7], $0x5FFFF  }
0xac: {  	[dreg:$0x1] =	wrdreg $0xFFFFFFFF  }
0xad: {  	[dreg:$0x0] =	wrdreg $0x60  }
0xae: {  	[dreg:$0x2] =	wrdreg s2  }
0xaf: {  	[dreg:$0x3] =	wrdreg s24  }
0xb0: {  	[dreg:$0x4] =	wrdreg $0x90000  }
0xb1: {  	[dreg:$0x5] =	wrdreg $0x9  }
0xb2: {  	_ =	task.clear_ibuf [dreg:s7], $0x6FFFF;
	_ =	strace $0x90000046  }
0xb3: {  	s29 =	simm.s32 $0x9;
	_ =	strace $0x80000048  }
0xb4: {  	_ =	swait.ge [sflag:s29], $0x1  }
0xb5: {  	[sflag:s29] =	ssyncadd.s32 $0xFFFFFFFF  }
0xb6: {  	_ =	strace $0x90000048  }
0xb7: {  	_ =	sfence  }
0xb8: {  	s30 =	sld [smem:$0x0];
	_ =	sdelay $0x2  }
0xb9: {  	s31 =	sshll.u32 s1, $0xD;
	s1 =	sshrl.u32 s1, $0x2  }
0xba: {  	s3 =	sand.u32 $0x4000, s31;
	s1 =	sadd.s32 s1, s30  }
0xbb: {  	s0 =	sor.u32 s3, s0;
	s1 =	sshll.u32 s1, $0x11  }
0xbc: {  	s0 =	sor.u32 s1, s0  }
0xbd: {  	s0 =	sadd.s32 $0x8F2B, s0  }
0xbe: {  	[sflag:s0] =	ssyncadd.remote.s32 $0x1  }
0xbf: {  	_ =	sfence.sel $0xFFFF  }
0xc0: {  	[dreg:$0x0] =	wrdreg $0xFFFFFFFF;
	(pc) =	sbr.abs _section_cstart, $3  }
0xc1: {  	[dreg:$0x1] =	wrdreg $0xFFFFFFFF  }
0xc2: {  	_ =	task.clear_ibuf [dreg:s7], $0x2FFFF;
	_ =	strace $0x9FFFFFFF  }
0xc3: {  	(tm) =	ssettm $0x7FFFFFFF  }
tec
execute0_lowered:
.L_overlay_start_1:
0x0: {  	(tag) =	ssettag $0x1  }
0x1: {  	s7 =	rddreg [dreg:$0x0]  }
0x2: {  	s5 =	rddreg [dreg:$0x1];
	s0 =	stileid.u32  }
0x3: {  	s1 =	srdreg.scid;
	s2 =	rddreg [dreg:$0x2]  }
0x4: {  	s3 =	simm.s32 $0x0;
	s13 =	simm.s32 $0x80;
	s14 =	simm.s32 $0x0  }
0x5: {  	s4 =	smul.u32 $0x13C00, s0;
	s6 =	sand.u32 $0x1, s1;
	s1 =	rddreg [dreg:$0x3]  }
0x6: {  	[smem:$0x7FF] =	sst s3;
	s11 =	smul.u32 $0x4F000, s0;
	s12 =	sshll.u32 s0, $0x1  }
0x7: {  	s31 =	sshll.u32 s0, $0x6;
	s8 =	smul.u32 $0x13C000, s6;
	_ =	strace $0x80000047  }
0x8: {  	s10 =	ssub.s32 $0x2, s6;
	s6 =	sor.u32 s6, s12;
	s12 =	simm.s32 $0x5000  }
0x9: {  	s9 =	sshrl.u32 s4, $0x3;
	s26 =	sshrl.u32 s10, $0x1;
	s28 =	sshrl.u32 s11, $0x2  }
0xa: {  	s29 =	smul.u32 $0xA00, s6;
	s6 =	sor.u32 $0x1C01, s31;
	s11 =	simm.s32 $0x1  }
0xb: {  	s8 =	sadd.s32 s4, s8;
	s4 =	sadd.s32 $0x2200, s5;
	s9 =	sadd.s32 s9, s5  }
0xc: {  	s10 =	ssub.s32 s10, s26;
	s30 =	sadd.s32 s28, s2;
	s8 =	sshrl.u32 s8, $0x3  }
0xd: {  	s7 =	sadd.s32 s7, s29;
	s8 =	sadd.s32 s8, s5;
	s5 =	sadd.s32 $0x2A00, s9  }
0xe: {  	s9 =	smax.u32 s10, $0x1;
	s10 =	sshrl.u32 s30, $0x3;
	s8 =	sadd.s32 $0x2A200, s8  }
.LBB2_1:
0xf: {  	[spmem:s10], [sflag:s6] =	dma.local [hbm:s5], $0x2780  }
0x10: {  	_ =	swait.ge [sflag:s11], $0x2780  }
0x11: {  	[sflag:s11] =	ssyncset.done $0x0  }
0x12: {  	[sflag:s11] =	ssyncadd.s32 $0xFFFFD880  }
0x13: {  	[tilespmem:s12], [sflag:$0x1] =	stream.linear.gather [hbm4b:s4+s3], $0x4000, $0x38;
	[tilespmem:$0x1CC00] =	vst v63  }
0x14: {  	_ =	swait.ge [sflag:s11], $0x4000  }
0x15: {  	[sflag:s11] =	ssyncset.done $0x0  }
0x16: {  	[sflag:s11] =	ssyncadd.s32 $0xFFFFC000  }
0x17: {  	[tilespmem:s3], [sflag:$0x1] =	stream.linear.gather [hbm4b:s7+s3], $0x5000, $0x38;
	[tilespmem:$0x1CC00] =	vst v63  }
0x18: {  	_ =	swait.ge [sflag:s11], $0x5000  }
0x19: {  	[sflag:s11] =	ssyncset.done $0x0  }
0x1a: {  	[sflag:s11] =	ssyncadd.s32 $0xFFFFB000  }
0x1b: {  	s15 =	simm.s32 $0x0;
	[bflag:$0x0] =	sbarrier.arrive $0xFFFF  }
0x1c: {  	[spmem:s2] =	stream.indirect.scatter.add.f32 [tilespmem:s12], [sflag:$0x1], $0x80, s15, s13, $0xb8;
	[tilespmem:$0x1CC00] =	vst v63  }
0x1d: {  	_ =	swait.ge [sflag:s11], $0x4000  }
0x1e: {  	s15 =	simm.s32 $0x200;
	[sflag:s11] =	ssyncset.done $0x0  }
.LBB2_2:
0x1f: {  	s16 =	sshra.s32 s15, $0x2;
	[sflag:s11] =	ssyncadd.s32 $0xFFFFC000;
	p0 =	sne.s32 s15, $0x13E00  }
0x20: {  	[spmem:s2] =	stream.indirect.scatter.add.f32 [tilespmem:s12], [sflag:$0x1], $0x80, s16, s13, $0xb8;
	[tilespmem:$0x1CC00] =	vst v63  }
.Ltmp0:
0x21: {  	_ = 	snop;
	(pc) =	sbr.rel @p0 .LBB2_2-.Ltmp0, $4  }
0x22: {  	_ = 	snop  }
0x23: {  	s15 =	sadd.s32 $0x200, s15  }
0x24: {  	_ =	swait.ge [sflag:s11], $0x4000  }
0x25: {  	[sflag:s11] =	ssyncset.done $0x0  }
0x26: {  	s14 =	sadd.s32 $0x1, s14  }
0x27: {  	[sflag:s11] =	ssyncadd.s32 $0xFFFFC000;
	p0 =	sne.s32 s14, s9  }
.Ltmp1:
0x28: {  	[bflag:$0x0] =	sbarrier.arrive $0xFFFF;
	(pc) =	sbr.rel @p0 .LBB2_1-.Ltmp1, $4  }
0x29: {  	[hbm:s8], [sflag:s6] =	dma.local [spmem:s10], $0x2780  }
0x2a: {  	_ =	swait.ge [sflag:s11], $0x2780  }
0x2b: {  	[sflag:s11] =	ssyncset.done $0x0  }
0x2c: {  	[sflag:s11] =	ssyncadd.s32 $0xFFFFD880  }
0x2d: {  	_ =	sfence.sel $0x180000  }
0x2e: {  	[bflag:$0x0] =	sbarrier.arrive $0xFFFF  }
0x2f: {  	p0 =	sne.s32 s0, $0x0;
	_ =	strace $0x90000047  }
0x30: {  	s0 =	sadd.s32 @!p0 $0x100000, s1;
	[bflag:$0x2] =	sbarrier.arrive $0xFFFF  }
0x31: {  	[sflag:s0] =	ssyncadd.tile.s32 @!p0 $0x1;
	_ =	shalt  }
.Lfunc_end2:
_tile_overlayer_lowered:
.L_overlay_start_2:
0x32: {  	(tag) =	ssettag $0x2  }
0x33: {  	s0 =	rddreg [dreg:$0x0];
	s2 =	stileid.u32  }
0x34: {  	s1 =	rddreg [dreg:$0x1];
	p0 =	sne.s32 s2, $0x0  }
0x35: {  	s3 =	rddreg [dreg:$0x2];
	[bflag:$0x3] =	sbarrier.arrive $0xFFFF;
	s2 =	simm.s32 @!p0 $0x1C01  }
0x36: {  	[timem:s3], [sflag:s2] =	dma.local @!p0 [hbm:s0], s1  }
0x37: {  	s0 =	simm.s32 @!p0 $0x1  }
0x38: {  	_ =	swait.ge @!p0 [sflag:s0], s1  }
0x39: {  	s1 =	ssub.s32 @!p0 $0x0, s1;
	[sflag:s0] =	ssyncset.done @!p0 $0x0  }
0x3a: {  	[sflag:s0] =	ssyncadd.s32 @!p0 s1  }
0x3b: {  	[bflag:$0x3] =	sbarrier.arrive $0xFFFF  }
0x3c: {  	_ =	shalt  }

</sc_bundles>
